<compile_context>
chip_gen: v7x
topology: tpu7x:2x2x1
jax: 0.10.2.dev20260603
libtpu: 0.0.44.dev20260713+nightly
codegen_flags: <defaults>
</compile_context>

<pallas_src>
import functools

import jax
import jax.numpy as jnp
from jax import lax
from jax.experimental import pallas as pl
from jax.experimental.pallas import tpu as pltpu
from jax.experimental.pallas import tpu_sc as plsc

BATCH = 16384
FEATS = 64
NUM_CORES = 2
NUM_SUBCORES = 16
NW = NUM_CORES * NUM_SUBCORES
B_PER_W = BATCH // NW
GROUPS = B_PER_W // 16
GCHUNK = 128
NCHUNK = B_PER_W // GCHUNK
FCHUNK = 16
NFC = FEATS // FCHUNK


def _body(home_hbm, away_hbm, xt_hbm, s_hbm, beta_hbm, mu_hbm, out_hbm,
          hidx_v, aidx_v, sh_v, sa_v, xt_v, beta_v, bsp_v, zidx_v, mu_v,
          out_v, sem, xsem):
    cid = lax.axis_index("c")
    sid = lax.axis_index("s")
    wid = sid * NUM_CORES + cid
    base = wid * B_PER_W

    pltpu.sync_copy(home_hbm.at[pl.ds(base, B_PER_W)], hidx_v)
    pltpu.sync_copy(away_hbm.at[pl.ds(base, B_PER_W)], aidx_v)

    lanes = lax.iota(jnp.int32, 16)
    zidx_v[...] = lanes * 0

    copies = []
    for c in range(NCHUNK):
        sl = pl.ds(c * GCHUNK, GCHUNK)
        copies.append(pltpu.async_copy(s_hbm.at[hidx_v.at[sl]], sh_v.at[sl], sem))
        copies.append(pltpu.async_copy(s_hbm.at[aidx_v.at[sl]], sa_v.at[sl], sem))
    copies.append(pltpu.async_copy(mu_hbm.at[zidx_v], mu_v, sem))

    @plsc.parallel_loop(0, FEATS)
    def _xfire(f):
        pltpu.async_copy(
            xt_hbm.at[f, pl.ds(base, B_PER_W)], xt_v.at[f], xsem)

    pltpu.sync_copy(beta_hbm, beta_v)

    @plsc.parallel_loop(0, FEATS)
    def _bsplat(f):
        bsp_v[f, :] = plsc.load_gather(
            beta_v, [jnp.broadcast_to(f, (16,)).astype(jnp.int32)])

    for cp in copies:
        cp.wait()
    mu_s = mu_v[...]
    zero = jnp.zeros((16,), jnp.float32)

    def fbody(f, a):
        bs = bsp_v[f, :]
        return tuple(
            acc + xt_v[f, pl.ds(g * 16, 16)] * bs
            for g, acc in enumerate(a))

    accs = (zero,) * GROUPS
    half_f = FEATS // 2
    for c in range(2):
        f0 = c * half_f
        pltpu.make_async_copy(
            xt_hbm.at[pl.ds(f0, half_f), pl.ds(base, B_PER_W)],
            xt_v.at[pl.ds(f0, half_f)], xsem).wait()
        accs = lax.fori_loop(f0, f0 + half_f, fbody, accs)

    for g in range(GROUPS):
        goff = g * 16
        out_v[pl.ds(goff, 16)] = (
            sh_v[pl.ds(goff, 16)] - sa_v[pl.ds(goff, 16)] + mu_s + accs[g])

    pltpu.sync_copy(out_v, out_hbm.at[pl.ds(base, B_PER_W)])


@jax.jit
def kernel(home_idx, away_idx, X, strengths, beta, mu):
    xt = X.T
    run = functools.partial(
        pl.kernel,
        mesh=plsc.VectorSubcoreMesh(core_axis_name="c", subcore_axis_name="s"),
        out_type=jax.ShapeDtypeStruct((BATCH,), jnp.float32),
        compiler_params=pltpu.CompilerParams(needs_layout_passes=False),
        scratch_types=[
            pltpu.VMEM((B_PER_W,), jnp.int32),
            pltpu.VMEM((B_PER_W,), jnp.int32),
            pltpu.VMEM((B_PER_W,), jnp.float32),
            pltpu.VMEM((B_PER_W,), jnp.float32),
            pltpu.VMEM((FEATS, B_PER_W), jnp.float32),
            pltpu.VMEM((FEATS,), jnp.float32),
            pltpu.VMEM((FEATS, 16), jnp.float32),
            pltpu.VMEM((16,), jnp.int32),
            pltpu.VMEM((16,), jnp.float32),
            pltpu.VMEM((B_PER_W,), jnp.float32),
            pltpu.SemaphoreType.DMA,
            pltpu.SemaphoreType.DMA,
        ],
    )(_body)
    return run(home_idx, away_idx, xt, strengths, beta, mu)

# --- scband reference (transcript-rebuilt; emitter-appended) ---
"""Pipeline reference for scband-bnstrength-logit-32736240730729 (READ-ONLY COPY).

The authoritative reference and input builder live on the scoring server;
editing this copy changes nothing except your own understanding.
"""

import jax, jax.numpy as jnp
import numpy as np

NUM_TEAMS = 100000
NUM_FEATURES = 64
BATCH = 16384

def setup_inputs(seed: int = 0) -> dict:
    key = jax.random.key(seed)
    k1, k2, k3, k4, k5, k6 = jax.random.split(key, 6)
    home_idx = jax.random.randint(k1, (BATCH,), 0, NUM_TEAMS, dtype=jnp.int64) if jax.config.jax_enable_x64 else jax.random.randint(k1, (BATCH,), 0, NUM_TEAMS, dtype=jnp.int32)
    away_idx = jax.random.randint(k2, (BATCH,), 0, NUM_TEAMS, dtype=jnp.int32)
    home_idx = jax.random.randint(k1, (BATCH,), 0, NUM_TEAMS, dtype=jnp.int32)
    X = jax.random.normal(k3, (BATCH, NUM_FEATURES), dtype=jnp.float32)
    # learned parameters (original inits to zeros; use small random values so output is nontrivial)
    strengths = jax.random.normal(k4, (NUM_TEAMS,), dtype=jnp.float32) * 0.1
    beta = jax.random.normal(k5, (NUM_FEATURES,), dtype=jnp.float32) * 0.1
    mu = jax.random.normal(k6, (1,), dtype=jnp.float32) * 0.1
    return {"home_idx": home_idx, "away_idx": away_idx, "X": X, "strengths": strengths, "beta": beta, "mu": mu}

def reference(home_idx, away_idx, X, strengths, beta, mu):
    s_home = jnp.take(strengths, home_idx, axis=0)
    s_away = jnp.take(strengths, away_idx, axis=0)
    lin = mu + (s_home - s_away) + X @ beta
    return lin

if __name__ == "__main__":
    import jax
    _d = setup_inputs()
    print(jax.jit(kernel)(*tuple(_d.values())))

</pallas_src>

<mosaic_0001>
#map = affine_map<(d0, d1) -> (0)>
#map1 = affine_map<(d0, d1) -> (0, 0)>
module attributes {stable_mosaic.version = 14 : i64} {
  func.func @_body(%arg0: i32, %arg1: i32, %arg2: memref<16384xi32, #tpu.memory_space<hbm>>, %arg3: memref<16384xi32, #tpu.memory_space<hbm>>, %arg4: memref<64x16384xf32, #tpu.memory_space<hbm>>, %arg5: memref<100000xf32, #tpu.memory_space<hbm>>, %arg6: memref<64xf32, #tpu.memory_space<hbm>>, %arg7: memref<1xf32, #tpu.memory_space<hbm>>, %arg8: memref<16384xf32, #tpu.memory_space<hbm>>, %arg9: memref<512xi32, #tpu.memory_space<vmem>>, %arg10: memref<512xi32, #tpu.memory_space<vmem>>, %arg11: memref<512xf32, #tpu.memory_space<vmem>>, %arg12: memref<512xf32, #tpu.memory_space<vmem>>, %arg13: memref<64x512xf32, #tpu.memory_space<vmem>>, %arg14: memref<64xf32, #tpu.memory_space<vmem>>, %arg15: memref<64x16xf32, #tpu.memory_space<vmem>>, %arg16: memref<16xi32, #tpu.memory_space<vmem>>, %arg17: memref<16xf32, #tpu.memory_space<vmem>>, %arg18: memref<512xf32, #tpu.memory_space<vmem>>, %arg19: memref<!tpu.dma_semaphore, #tpu.memory_space<semaphore_mem>>, %arg20: memref<!tpu.dma_semaphore, #tpu.memory_space<semaphore_mem>>) attributes {dimension_semantics = [#tpu.dimension_semantics<core_parallel>, #tpu.dimension_semantics<subcore_parallel>], iteration_bounds = array<i64: 2, 16>, scalar_prefetch = 0 : i64, scratch_operands = 12 : i64, tpu.core_type = #tpu.core_type<sc_vector_subcore>, window_params = [{transform_indices = #map}, {transform_indices = #map}, {transform_indices = #map1}, {transform_indices = #map}, {transform_indices = #map}, {transform_indices = #map}, {transform_indices = #map}]} {
    %mul3A = arith.constant 2 : i32
    %mul3A_0 = arith.muli %arg1, %mul3A : i32
    %add3A = arith.addi %mul3A_0, %arg0 : i32
    %mul3A_1 = arith.constant 512 : i32
    %mul3A_2 = arith.muli %add3A, %mul3A_1 : i32
    "tpu.region"() ({
      %run_scoped3A = tpu.sem_alloc : memref<!tpu.dma_semaphore, #tpu.memory_space<semaphore_mem>>
      %dma_start3A_430 = tpu.memref_slice %arg2[%mul3A_2] : memref<16384xi32, #tpu.memory_space<hbm>> -> memref<512xi32, #tpu.memory_space<hbm>>
      %dma_start3A_431 = tpu.memref_slice %arg2[%mul3A_2] : memref<16384xi32, #tpu.memory_space<hbm>> -> memref<512xi32, #tpu.memory_space<hbm>>
      tpu.enqueue_dma source(%dma_start3A_431 : memref<512xi32, #tpu.memory_space<hbm>>) target(%arg9 : memref<512xi32, #tpu.memory_space<vmem>>) target_semaphore(%run_scoped3A : memref<!tpu.dma_semaphore, #tpu.memory_space<semaphore_mem>>)
      %dma_wait3A_432 = tpu.memref_slice %arg2[%mul3A_2] : memref<16384xi32, #tpu.memory_space<hbm>> -> memref<512xi32, #tpu.memory_space<hbm>>
      %dma_wait3A_433 = tpu.memref_slice %arg2[%mul3A_2] : memref<16384xi32, #tpu.memory_space<hbm>> -> memref<512xi32, #tpu.memory_space<hbm>>
      tpu.wait_dma2 semaphore(%run_scoped3A : memref<!tpu.dma_semaphore, #tpu.memory_space<semaphore_mem>>) src(%dma_wait3A_433 : memref<512xi32, #tpu.memory_space<hbm>>) dst(%arg9 : memref<512xi32, #tpu.memory_space<vmem>>)
      tpu.yield
    }) : () -> ()
    "tpu.region"() ({
      %run_scoped3A = tpu.sem_alloc : memref<!tpu.dma_semaphore, #tpu.memory_space<semaphore_mem>>
      %dma_start3A_430 = tpu.memref_slice %arg3[%mul3A_2] : memref<16384xi32, #tpu.memory_space<hbm>> -> memref<512xi32, #tpu.memory_space<hbm>>
      %dma_start3A_431 = tpu.memref_slice %arg3[%mul3A_2] : memref<16384xi32, #tpu.memory_space<hbm>> -> memref<512xi32, #tpu.memory_space<hbm>>
      tpu.enqueue_dma source(%dma_start3A_431 : memref<512xi32, #tpu.memory_space<hbm>>) target(%arg10 : memref<512xi32, #tpu.memory_space<vmem>>) target_semaphore(%run_scoped3A : memref<!tpu.dma_semaphore, #tpu.memory_space<semaphore_mem>>)
      %dma_wait3A_432 = tpu.memref_slice %arg3[%mul3A_2] : memref<16384xi32, #tpu.memory_space<hbm>> -> memref<512xi32, #tpu.memory_space<hbm>>
      %dma_wait3A_433 = tpu.memref_slice %arg3[%mul3A_2] : memref<16384xi32, #tpu.memory_space<hbm>> -> memref<512xi32, #tpu.memory_space<hbm>>
      tpu.wait_dma2 semaphore(%run_scoped3A : memref<!tpu.dma_semaphore, #tpu.memory_space<semaphore_mem>>) src(%dma_wait3A_433 : memref<512xi32, #tpu.memory_space<hbm>>) dst(%arg10 : memref<512xi32, #tpu.memory_space<vmem>>)
      tpu.yield
    }) : () -> ()
    %iota3A = tpu.iota {dimensions = array<i32: 0>} : vector<16xi32>
    %mul3A_3 = arith.constant 0 : i32
    %mul3A_4 = vector.broadcast %mul3A_3 : i32 to vector<16xi32>
    %mul3A_5 = arith.muli %iota3A, %mul3A_4 : vector<16xi32>
    %swap3A = arith.constant 0 : index
    %swap3A_6 = tpu.vector_load %arg16[%swap3A] {strides = array<i32>} : memref<16xi32, #tpu.memory_space<vmem>>, vector<16xi32>,
    tpu.vector_store %arg16[%swap3A], %mul3A_5 {strides = array<i32>} : memref<16xi32, #tpu.memory_space<vmem>>, vector<16xi32>,
    %dma_start3A = arith.constant 0 : i32
    %dma_start3A_7 = tpu.memref_slice %arg11[%dma_start3A] : memref<512xf32, #tpu.memory_space<vmem>> -> memref<128xf32, #tpu.memory_space<vmem>>
    %dma_start3A_8 = arith.constant 0 : i32
    %dma_start3A_9 = tpu.memref_slice %arg9[%dma_start3A_8] : memref<512xi32, #tpu.memory_space<vmem>> -> memref<128xi32, #tpu.memory_space<vmem>>
    %dma_start3A_10 = arith.constant 0 : i32
    %dma_start3A_11 = tpu.memref_slice %arg5[%dma_start3A_10] : memref<100000xf32, #tpu.memory_space<hbm>> -> memref<100000xf32, #tpu.memory_space<hbm>>
    tpu.enqueue_indirect_dma source(%dma_start3A_11 : memref<100000xf32, #tpu.memory_space<hbm>>) target(%dma_start3A_7 : memref<128xf32, #tpu.memory_space<vmem>>) offsets(%dma_start3A_9 : memref<128xi32, #tpu.memory_space<vmem>>) semaphore(%arg19 : memref<!tpu.dma_semaphore, #tpu.memory_space<semaphore_mem>>)
    %dma_start3A_12 = arith.constant 0 : i32
    %dma_start3A_13 = tpu.memref_slice %arg12[%dma_start3A_12] : memref<512xf32, #tpu.memory_space<vmem>> -> memref<128xf32, #tpu.memory_space<vmem>>
    %dma_start3A_14 = arith.constant 0 : i32
    %dma_start3A_15 = tpu.memref_slice %arg10[%dma_start3A_14] : memref<512xi32, #tpu.memory_space<vmem>> -> memref<128xi32, #tpu.memory_space<vmem>>
    %dma_start3A_16 = arith.constant 0 : i32
    %dma_start3A_17 = tpu.memref_slice %arg5[%dma_start3A_16] : memref<100000xf32, #tpu.memory_space<hbm>> -> memref<100000xf32, #tpu.memory_space<hbm>>
    tpu.enqueue_indirect_dma source(%dma_start3A_17 : memref<100000xf32, #tpu.memory_space<hbm>>) target(%dma_start3A_13 : memref<128xf32, #tpu.memory_space<vmem>>) offsets(%dma_start3A_15 : memref<128xi32, #tpu.memory_space<vmem>>) semaphore(%arg19 : memref<!tpu.dma_semaphore, #tpu.memory_space<semaphore_mem>>)
    %dma_start3A_18 = arith.constant 128 : i32
    %dma_start3A_19 = tpu.memref_slice %arg11[%dma_start3A_18] : memref<512xf32, #tpu.memory_space<vmem>> -> memref<128xf32, #tpu.memory_space<vmem>>
    %dma_start3A_20 = arith.constant 128 : i32
    %dma_start3A_21 = tpu.memref_slice %arg9[%dma_start3A_20] : memref<512xi32, #tpu.memory_space<vmem>> -> memref<128xi32, #tpu.memory_space<vmem>>
    %dma_start3A_22 = arith.constant 0 : i32
    %dma_start3A_23 = tpu.memref_slice %arg5[%dma_start3A_22] : memref<100000xf32, #tpu.memory_space<hbm>> -> memref<100000xf32, #tpu.memory_space<hbm>>
    tpu.enqueue_indirect_dma source(%dma_start3A_23 : memref<100000xf32, #tpu.memory_space<hbm>>) target(%dma_start3A_19 : memref<128xf32, #tpu.memory_space<vmem>>) offsets(%dma_start3A_21 : memref<128xi32, #tpu.memory_space<vmem>>) semaphore(%arg19 : memref<!tpu.dma_semaphore, #tpu.memory_space<semaphore_mem>>)
    %dma_start3A_24 = arith.constant 128 : i32
    %dma_start3A_25 = tpu.memref_slice %arg12[%dma_start3A_24] : memref<512xf32, #tpu.memory_space<vmem>> -> memref<128xf32, #tpu.memory_space<vmem>>
    %dma_start3A_26 = arith.constant 128 : i32
    %dma_start3A_27 = tpu.memref_slice %arg10[%dma_start3A_26] : memref<512xi32, #tpu.memory_space<vmem>> -> memref<128xi32, #tpu.memory_space<vmem>>
    %dma_start3A_28 = arith.constant 0 : i32
    %dma_start3A_29 = tpu.memref_slice %arg5[%dma_start3A_28] : memref<100000xf32, #tpu.memory_space<hbm>> -> memref<100000xf32, #tpu.memory_space<hbm>>
    tpu.enqueue_indirect_dma source(%dma_start3A_29 : memref<100000xf32, #tpu.memory_space<hbm>>) target(%dma_start3A_25 : memref<128xf32, #tpu.memory_space<vmem>>) offsets(%dma_start3A_27 : memref<128xi32, #tpu.memory_space<vmem>>) semaphore(%arg19 : memref<!tpu.dma_semaphore, #tpu.memory_space<semaphore_mem>>)
    %dma_start3A_30 = arith.constant 256 : i32
    %dma_start3A_31 = tpu.memref_slice %arg11[%dma_start3A_30] : memref<512xf32, #tpu.memory_space<vmem>> -> memref<128xf32, #tpu.memory_space<vmem>>
    %dma_start3A_32 = arith.constant 256 : i32
    %dma_start3A_33 = tpu.memref_slice %arg9[%dma_start3A_32] : memref<512xi32, #tpu.memory_space<vmem>> -> memref<128xi32, #tpu.memory_space<vmem>>
    %dma_start3A_34 = arith.constant 0 : i32
    %dma_start3A_35 = tpu.memref_slice %arg5[%dma_start3A_34] : memref<100000xf32, #tpu.memory_space<hbm>> -> memref<100000xf32, #tpu.memory_space<hbm>>
    tpu.enqueue_indirect_dma source(%dma_start3A_35 : memref<100000xf32, #tpu.memory_space<hbm>>) target(%dma_start3A_31 : memref<128xf32, #tpu.memory_space<vmem>>) offsets(%dma_start3A_33 : memref<128xi32, #tpu.memory_space<vmem>>) semaphore(%arg19 : memref<!tpu.dma_semaphore, #tpu.memory_space<semaphore_mem>>)
    %dma_start3A_36 = arith.constant 256 : i32
    %dma_start3A_37 = tpu.memref_slice %arg12[%dma_start3A_36] : memref<512xf32, #tpu.memory_space<vmem>> -> memref<128xf32, #tpu.memory_space<vmem>>
    %dma_start3A_38 = arith.constant 256 : i32
    %dma_start3A_39 = tpu.memref_slice %arg10[%dma_start3A_38] : memref<512xi32, #tpu.memory_space<vmem>> -> memref<128xi32, #tpu.memory_space<vmem>>
    %dma_start3A_40 = arith.constant 0 : i32
    %dma_start3A_41 = tpu.memref_slice %arg5[%dma_start3A_40] : memref<100000xf32, #tpu.memory_space<hbm>> -> memref<100000xf32, #tpu.memory_space<hbm>>
    tpu.enqueue_indirect_dma source(%dma_start3A_41 : memref<100000xf32, #tpu.memory_space<hbm>>) target(%dma_start3A_37 : memref<128xf32, #tpu.memory_space<vmem>>) offsets(%dma_start3A_39 : memref<128xi32, #tpu.memory_space<vmem>>) semaphore(%arg19 : memref<!tpu.dma_semaphore, #tpu.memory_space<semaphore_mem>>)
    %dma_start3A_42 = arith.constant 384 : i32
    %dma_start3A_43 = tpu.memref_slice %arg11[%dma_start3A_42] : memref<512xf32, #tpu.memory_space<vmem>> -> memref<128xf32, #tpu.memory_space<vmem>>
    %dma_start3A_44 = arith.constant 384 : i32
    %dma_start3A_45 = tpu.memref_slice %arg9[%dma_start3A_44] : memref<512xi32, #tpu.memory_space<vmem>> -> memref<128xi32, #tpu.memory_space<vmem>>
    %dma_start3A_46 = arith.constant 0 : i32
    %dma_start3A_47 = tpu.memref_slice %arg5[%dma_start3A_46] : memref<100000xf32, #tpu.memory_space<hbm>> -> memref<100000xf32, #tpu.memory_space<hbm>>
    tpu.enqueue_indirect_dma source(%dma_start3A_47 : memref<100000xf32, #tpu.memory_space<hbm>>) target(%dma_start3A_43 : memref<128xf32, #tpu.memory_space<vmem>>) offsets(%dma_start3A_45 : memref<128xi32, #tpu.memory_space<vmem>>) semaphore(%arg19 : memref<!tpu.dma_semaphore, #tpu.memory_space<semaphore_mem>>)
    %dma_start3A_48 = arith.constant 384 : i32
    %dma_start3A_49 = tpu.memref_slice %arg12[%dma_start3A_48] : memref<512xf32, #tpu.memory_space<vmem>> -> memref<128xf32, #tpu.memory_space<vmem>>
    %dma_start3A_50 = arith.constant 384 : i32
    %dma_start3A_51 = tpu.memref_slice %arg10[%dma_start3A_50] : memref<512xi32, #tpu.memory_space<vmem>> -> memref<128xi32, #tpu.memory_space<vmem>>
    %dma_start3A_52 = arith.constant 0 : i32
    %dma_start3A_53 = tpu.memref_slice %arg5[%dma_start3A_52] : memref<100000xf32, #tpu.memory_space<hbm>> -> memref<100000xf32, #tpu.memory_space<hbm>>
    tpu.enqueue_indirect_dma source(%dma_start3A_53 : memref<100000xf32, #tpu.memory_space<hbm>>) target(%dma_start3A_49 : memref<128xf32, #tpu.memory_space<vmem>>) offsets(%dma_start3A_51 : memref<128xi32, #tpu.memory_space<vmem>>) semaphore(%arg19 : memref<!tpu.dma_semaphore, #tpu.memory_space<semaphore_mem>>)
    %dma_start3A_54 = arith.constant 0 : i32
    %dma_start3A_55 = tpu.memref_slice %arg7[%dma_start3A_54] : memref<1xf32, #tpu.memory_space<hbm>> -> memref<1xf32, #tpu.memory_space<hbm>>
    tpu.enqueue_indirect_dma source(%dma_start3A_55 : memref<1xf32, #tpu.memory_space<hbm>>) target(%arg17 : memref<16xf32, #tpu.memory_space<vmem>>) offsets(%arg16 : memref<16xi32, #tpu.memory_space<vmem>>) semaphore(%arg19 : memref<!tpu.dma_semaphore, #tpu.memory_space<semaphore_mem>>)
    %parallel_loop3A = arith.constant 0 : i32
    %parallel_loop3A_56 = arith.constant 64 : i32
    %parallel_loop3A_57 = arith.constant 1 : i32
    scf.for %parallel_loop3A_430 = %parallel_loop3A to %parallel_loop3A_56 step %parallel_loop3A_57  : i32 {
      %parallel_loop3A_431 = arith.constant 0 : i32
      %parallel_loop3A_432 = tpu.memref_slice %arg13[%parallel_loop3A_430, %parallel_loop3A_431] : memref<64x512xf32, #tpu.memory_space<vmem>> -> memref<1x512xf32, #tpu.memory_space<vmem>>
      %parallel_loop3A_433 = tpu.memref_squeeze %parallel_loop3A_432 : memref<1x512xf32, #tpu.memory_space<vmem>> -> memref<512xf32, #tpu.memory_space<vmem>>
      %parallel_loop3A_434 = tpu.memref_slice %arg4[%parallel_loop3A_430, %mul3A_2] : memref<64x16384xf32, #tpu.memory_space<hbm>> -> memref<1x512xf32, #tpu.memory_space<hbm>>
      %parallel_loop3A_435 = tpu.memref_squeeze %parallel_loop3A_434 : memref<1x512xf32, #tpu.memory_space<hbm>> -> memref<512xf32, #tpu.memory_space<hbm>>
      %parallel_loop3A_436 = arith.constant 0 : i32
      %parallel_loop3A_437 = tpu.memref_slice %arg13[%parallel_loop3A_430, %parallel_loop3A_436] : memref<64x512xf32, #tpu.memory_space<vmem>> -> memref<1x512xf32, #tpu.memory_space<vmem>>
      %parallel_loop3A_438 = tpu.memref_squeeze %parallel_loop3A_437 : memref<1x512xf32, #tpu.memory_space<vmem>> -> memref<512xf32, #tpu.memory_space<vmem>>
      %parallel_loop3A_439 = tpu.memref_slice %arg4[%parallel_loop3A_430, %mul3A_2] : memref<64x16384xf32, #tpu.memory_space<hbm>> -> memref<1x512xf32, #tpu.memory_space<hbm>>
      %parallel_loop3A_440 = tpu.memref_squeeze %parallel_loop3A_439 : memref<1x512xf32, #tpu.memory_space<hbm>> -> memref<512xf32, #tpu.memory_space<hbm>>
      tpu.enqueue_dma source(%parallel_loop3A_440 : memref<512xf32, #tpu.memory_space<hbm>>) target(%parallel_loop3A_438 : memref<512xf32, #tpu.memory_space<vmem>>) target_semaphore(%arg20 : memref<!tpu.dma_semaphore, #tpu.memory_space<semaphore_mem>>)
    } {sc.loop_unroll_factor = 1 : i64, sc.parallel_access}
    "tpu.region"() ({
      %run_scoped3A = tpu.sem_alloc : memref<!tpu.dma_semaphore, #tpu.memory_space<semaphore_mem>>
      tpu.enqueue_dma source(%arg6 : memref<64xf32, #tpu.memory_space<hbm>>) target(%arg14 : memref<64xf32, #tpu.memory_space<vmem>>) target_semaphore(%run_scoped3A : memref<!tpu.dma_semaphore, #tpu.memory_space<semaphore_mem>>)
      tpu.wait_dma2 semaphore(%run_scoped3A : memref<!tpu.dma_semaphore, #tpu.memory_space<semaphore_mem>>) src(%arg6 : memref<64xf32, #tpu.memory_space<hbm>>) dst(%arg14 : memref<64xf32, #tpu.memory_space<vmem>>)
      tpu.yield
    }) : () -> ()
    %parallel_loop3A_58 = arith.constant 0 : i32
    %parallel_loop3A_59 = arith.constant 64 : i32
    %parallel_loop3A_60 = arith.constant 1 : i32
    scf.for %parallel_loop3A_430 = %parallel_loop3A_58 to %parallel_loop3A_59 step %parallel_loop3A_60  : i32 {
      %parallel_loop3A_431 = vector.broadcast %parallel_loop3A_430 : i32 to vector<16xi32>
      %parallel_loop3A_432 = tpu.vector_load_idx %arg14[%parallel_loop3A_431] : memref<64xf32, #tpu.memory_space<vmem>>[vector<16xi32>], vector<16xf32>,
      %parallel_loop3A_433 = arith.index_cast %parallel_loop3A_430 : i32 to index
      %parallel_loop3A_434 = arith.constant 0 : index
      %parallel_loop3A_435 = tpu.vector_load %arg15[%parallel_loop3A_433, %parallel_loop3A_434] {strides = array<i32>} : memref<64x16xf32, #tpu.memory_space<vmem>>, vector<16xf32>,
      tpu.vector_store %arg15[%parallel_loop3A_433, %parallel_loop3A_434], %parallel_loop3A_432 {strides = array<i32>} : memref<64x16xf32, #tpu.memory_space<vmem>>, vector<16xf32>,
    } {sc.loop_unroll_factor = 1 : i64, sc.parallel_access}
    %dma_wait3A = arith.constant 0 : i32
    %dma_wait3A_61 = tpu.memref_slice %arg11[%dma_wait3A] : memref<512xf32, #tpu.memory_space<vmem>> -> memref<128xf32, #tpu.memory_space<vmem>>
    %dma_wait3A_62 = arith.constant 0 : i32
    %dma_wait3A_63 = tpu.memref_slice %arg9[%dma_wait3A_62] : memref<512xi32, #tpu.memory_space<vmem>> -> memref<128xi32, #tpu.memory_space<vmem>>
    %dma_wait3A_64 = arith.constant 0 : i32
    %dma_wait3A_65 = tpu.memref_slice %arg5[%dma_wait3A_64] : memref<100000xf32, #tpu.memory_space<hbm>> -> memref<100000xf32, #tpu.memory_space<hbm>>
    tpu.wait_indirect_dma semaphore(%arg19 : memref<!tpu.dma_semaphore, #tpu.memory_space<semaphore_mem>>) src(%dma_wait3A_65 : memref<100000xf32, #tpu.memory_space<hbm>>) dst(%dma_wait3A_61 : memref<128xf32, #tpu.memory_space<vmem>>)
    %dma_wait3A_66 = arith.constant 0 : i32
    %dma_wait3A_67 = tpu.memref_slice %arg12[%dma_wait3A_66] : memref<512xf32, #tpu.memory_space<vmem>> -> memref<128xf32, #tpu.memory_space<vmem>>
    %dma_wait3A_68 = arith.constant 0 : i32
    %dma_wait3A_69 = tpu.memref_slice %arg10[%dma_wait3A_68] : memref<512xi32, #tpu.memory_space<vmem>> -> memref<128xi32, #tpu.memory_space<vmem>>
    %dma_wait3A_70 = arith.constant 0 : i32
    %dma_wait3A_71 = tpu.memref_slice %arg5[%dma_wait3A_70] : memref<100000xf32, #tpu.memory_space<hbm>> -> memref<100000xf32, #tpu.memory_space<hbm>>
    tpu.wait_indirect_dma semaphore(%arg19 : memref<!tpu.dma_semaphore, #tpu.memory_space<semaphore_mem>>) src(%dma_wait3A_71 : memref<100000xf32, #tpu.memory_space<hbm>>) dst(%dma_wait3A_67 : memref<128xf32, #tpu.memory_space<vmem>>)
    %dma_wait3A_72 = arith.constant 128 : i32
    %dma_wait3A_73 = tpu.memref_slice %arg11[%dma_wait3A_72] : memref<512xf32, #tpu.memory_space<vmem>> -> memref<128xf32, #tpu.memory_space<vmem>>
    %dma_wait3A_74 = arith.constant 128 : i32
    %dma_wait3A_75 = tpu.memref_slice %arg9[%dma_wait3A_74] : memref<512xi32, #tpu.memory_space<vmem>> -> memref<128xi32, #tpu.memory_space<vmem>>
    %dma_wait3A_76 = arith.constant 0 : i32
    %dma_wait3A_77 = tpu.memref_slice %arg5[%dma_wait3A_76] : memref<100000xf32, #tpu.memory_space<hbm>> -> memref<100000xf32, #tpu.memory_space<hbm>>
    tpu.wait_indirect_dma semaphore(%arg19 : memref<!tpu.dma_semaphore, #tpu.memory_space<semaphore_mem>>) src(%dma_wait3A_77 : memref<100000xf32, #tpu.memory_space<hbm>>) dst(%dma_wait3A_73 : memref<128xf32, #tpu.memory_space<vmem>>)
    %dma_wait3A_78 = arith.constant 128 : i32
    %dma_wait3A_79 = tpu.memref_slice %arg12[%dma_wait3A_78] : memref<512xf32, #tpu.memory_space<vmem>> -> memref<128xf32, #tpu.memory_space<vmem>>
    %dma_wait3A_80 = arith.constant 128 : i32
    %dma_wait3A_81 = tpu.memref_slice %arg10[%dma_wait3A_80] : memref<512xi32, #tpu.memory_space<vmem>> -> memref<128xi32, #tpu.memory_space<vmem>>
    %dma_wait3A_82 = arith.constant 0 : i32
    %dma_wait3A_83 = tpu.memref_slice %arg5[%dma_wait3A_82] : memref<100000xf32, #tpu.memory_space<hbm>> -> memref<100000xf32, #tpu.memory_space<hbm>>
    tpu.wait_indirect_dma semaphore(%arg19 : memref<!tpu.dma_semaphore, #tpu.memory_space<semaphore_mem>>) src(%dma_wait3A_83 : memref<100000xf32, #tpu.memory_space<hbm>>) dst(%dma_wait3A_79 : memref<128xf32, #tpu.memory_space<vmem>>)
    %dma_wait3A_84 = arith.constant 256 : i32
    %dma_wait3A_85 = tpu.memref_slice %arg11[%dma_wait3A_84] : memref<512xf32, #tpu.memory_space<vmem>> -> memref<128xf32, #tpu.memory_space<vmem>>
    %dma_wait3A_86 = arith.constant 256 : i32
    %dma_wait3A_87 = tpu.memref_slice %arg9[%dma_wait3A_86] : memref<512xi32, #tpu.memory_space<vmem>> -> memref<128xi32, #tpu.memory_space<vmem>>
    %dma_wait3A_88 = arith.constant 0 : i32
    %dma_wait3A_89 = tpu.memref_slice %arg5[%dma_wait3A_88] : memref<100000xf32, #tpu.memory_space<hbm>> -> memref<100000xf32, #tpu.memory_space<hbm>>
    tpu.wait_indirect_dma semaphore(%arg19 : memref<!tpu.dma_semaphore, #tpu.memory_space<semaphore_mem>>) src(%dma_wait3A_89 : memref<100000xf32, #tpu.memory_space<hbm>>) dst(%dma_wait3A_85 : memref<128xf32, #tpu.memory_space<vmem>>)
    %dma_wait3A_90 = arith.constant 256 : i32
    %dma_wait3A_91 = tpu.memref_slice %arg12[%dma_wait3A_90] : memref<512xf32, #tpu.memory_space<vmem>> -> memref<128xf32, #tpu.memory_space<vmem>>
    %dma_wait3A_92 = arith.constant 256 : i32
    %dma_wait3A_93 = tpu.memref_slice %arg10[%dma_wait3A_92] : memref<512xi32, #tpu.memory_space<vmem>> -> memref<128xi32, #tpu.memory_space<vmem>>
    %dma_wait3A_94 = arith.constant 0 : i32
    %dma_wait3A_95 = tpu.memref_slice %arg5[%dma_wait3A_94] : memref<100000xf32, #tpu.memory_space<hbm>> -> memref<100000xf32, #tpu.memory_space<hbm>>
    tpu.wait_indirect_dma semaphore(%arg19 : memref<!tpu.dma_semaphore, #tpu.memory_space<semaphore_mem>>) src(%dma_wait3A_95 : memref<100000xf32, #tpu.memory_space<hbm>>) dst(%dma_wait3A_91 : memref<128xf32, #tpu.memory_space<vmem>>)
    %dma_wait3A_96 = arith.constant 384 : i32
    %dma_wait3A_97 = tpu.memref_slice %arg11[%dma_wait3A_96] : memref<512xf32, #tpu.memory_space<vmem>> -> memref<128xf32, #tpu.memory_space<vmem>>
    %dma_wait3A_98 = arith.constant 384 : i32
    %dma_wait3A_99 = tpu.memref_slice %arg9[%dma_wait3A_98] : memref<512xi32, #tpu.memory_space<vmem>> -> memref<128xi32, #tpu.memory_space<vmem>>
    %dma_wait3A_100 = arith.constant 0 : i32
    %dma_wait3A_101 = tpu.memref_slice %arg5[%dma_wait3A_100] : memref<100000xf32, #tpu.memory_space<hbm>> -> memref<100000xf32, #tpu.memory_space<hbm>>
    tpu.wait_indirect_dma semaphore(%arg19 : memref<!tpu.dma_semaphore, #tpu.memory_space<semaphore_mem>>) src(%dma_wait3A_101 : memref<100000xf32, #tpu.memory_space<hbm>>) dst(%dma_wait3A_97 : memref<128xf32, #tpu.memory_space<vmem>>)
    %dma_wait3A_102 = arith.constant 384 : i32
    %dma_wait3A_103 = tpu.memref_slice %arg12[%dma_wait3A_102] : memref<512xf32, #tpu.memory_space<vmem>> -> memref<128xf32, #tpu.memory_space<vmem>>
    %dma_wait3A_104 = arith.constant 384 : i32
    %dma_wait3A_105 = tpu.memref_slice %arg10[%dma_wait3A_104] : memref<512xi32, #tpu.memory_space<vmem>> -> memref<128xi32, #tpu.memory_space<vmem>>
    %dma_wait3A_106 = arith.constant 0 : i32
    %dma_wait3A_107 = tpu.memref_slice %arg5[%dma_wait3A_106] : memref<100000xf32, #tpu.memory_space<hbm>> -> memref<100000xf32, #tpu.memory_space<hbm>>
    tpu.wait_indirect_dma semaphore(%arg19 : memref<!tpu.dma_semaphore, #tpu.memory_space<semaphore_mem>>) src(%dma_wait3A_107 : memref<100000xf32, #tpu.memory_space<hbm>>) dst(%dma_wait3A_103 : memref<128xf32, #tpu.memory_space<vmem>>)
    %dma_wait3A_108 = arith.constant 0 : i32
    %dma_wait3A_109 = tpu.memref_slice %arg7[%dma_wait3A_108] : memref<1xf32, #tpu.memory_space<hbm>> -> memref<1xf32, #tpu.memory_space<hbm>>
    tpu.wait_indirect_dma semaphore(%arg19 : memref<!tpu.dma_semaphore, #tpu.memory_space<semaphore_mem>>) src(%dma_wait3A_109 : memref<1xf32, #tpu.memory_space<hbm>>) dst(%arg17 : memref<16xf32, #tpu.memory_space<vmem>>)
    %get3A = arith.constant 0 : index
    %get3A_110 = tpu.vector_load %arg17[%get3A] {strides = array<i32>} : memref<16xf32, #tpu.memory_space<vmem>>, vector<16xf32>,
    %broadcast_in_dim3A = arith.constant 0.000000e+00 : f32
    %broadcast_in_dim3A_111 = vector.broadcast %broadcast_in_dim3A : f32 to vector<16xf32>
    %dma_wait3A_112 = arith.constant 0 : i32
    %dma_wait3A_113 = arith.constant 0 : i32
    %dma_wait3A_114 = tpu.memref_slice %arg13[%dma_wait3A_112, %dma_wait3A_113] : memref<64x512xf32, #tpu.memory_space<vmem>> -> memref<32x512xf32, #tpu.memory_space<vmem>>
    %dma_wait3A_115 = arith.constant 0 : i32
    %dma_wait3A_116 = tpu.memref_slice %arg4[%dma_wait3A_115, %mul3A_2] : memref<64x16384xf32, #tpu.memory_space<hbm>> -> memref<32x512xf32, #tpu.memory_space<hbm>>
    %dma_wait3A_117 = arith.constant 0 : i32
    %dma_wait3A_118 = arith.constant 0 : i32
    %dma_wait3A_119 = tpu.memref_slice %arg13[%dma_wait3A_117, %dma_wait3A_118] : memref<64x512xf32, #tpu.memory_space<vmem>> -> memref<32x512xf32, #tpu.memory_space<vmem>>
    %dma_wait3A_120 = arith.constant 0 : i32
    %dma_wait3A_121 = tpu.memref_slice %arg4[%dma_wait3A_120, %mul3A_2] : memref<64x16384xf32, #tpu.memory_space<hbm>> -> memref<32x512xf32, #tpu.memory_space<hbm>>
    tpu.wait_dma2 semaphore(%arg20 : memref<!tpu.dma_semaphore, #tpu.memory_space<semaphore_mem>>) src(%dma_wait3A_121 : memref<32x512xf32, #tpu.memory_space<hbm>>) dst(%dma_wait3A_119 : memref<32x512xf32, #tpu.memory_space<vmem>>)
    %scan3A = arith.constant 0 : i32
    %scan3A_122 = arith.constant 32 : i32
    %scan3A_123 = arith.addi %scan3A, %scan3A_122 : i32
    %scan3A_124 = arith.constant 1 : i32
    %scan3A_125:32 = scf.for %scan3A_430 = %scan3A to %scan3A_123 step %scan3A_124 iter_args(%scan3A_431 = %broadcast_in_dim3A_111, %scan3A_432 = %broadcast_in_dim3A_111, %scan3A_433 = %broadcast_in_dim3A_111, %scan3A_434 = %broadcast_in_dim3A_111, %scan3A_435 = %broadcast_in_dim3A_111, %scan3A_436 = %broadcast_in_dim3A_111, %scan3A_437 = %broadcast_in_dim3A_111, %scan3A_438 = %broadcast_in_dim3A_111, %scan3A_439 = %broadcast_in_dim3A_111, %scan3A_440 = %broadcast_in_dim3A_111, %scan3A_441 = %broadcast_in_dim3A_111, %scan3A_442 = %broadcast_in_dim3A_111, %scan3A_443 = %broadcast_in_dim3A_111, %scan3A_444 = %broadcast_in_dim3A_111, %scan3A_445 = %broadcast_in_dim3A_111, %scan3A_446 = %broadcast_in_dim3A_111, %scan3A_447 = %broadcast_in_dim3A_111, %scan3A_448 = %broadcast_in_dim3A_111, %scan3A_449 = %broadcast_in_dim3A_111, %scan3A_450 = %broadcast_in_dim3A_111, %scan3A_451 = %broadcast_in_dim3A_111, %scan3A_452 = %broadcast_in_dim3A_111, %scan3A_453 = %broadcast_in_dim3A_111, %scan3A_454 = %broadcast_in_dim3A_111, %scan3A_455 = %broadcast_in_dim3A_111, %scan3A_456 = %broadcast_in_dim3A_111, %scan3A_457 = %broadcast_in_dim3A_111, %scan3A_458 = %broadcast_in_dim3A_111, %scan3A_459 = %broadcast_in_dim3A_111, %scan3A_460 = %broadcast_in_dim3A_111, %scan3A_461 = %broadcast_in_dim3A_111, %scan3A_462 = %broadcast_in_dim3A_111) -> (vector<16xf32>, vector<16xf32>, vector<16xf32>, vector<16xf32>, vector<16xf32>, vector<16xf32>, vector<16xf32>, vector<16xf32>, vector<16xf32>, vector<16xf32>, vector<16xf32>, vector<16xf32>, vector<16xf32>, vector<16xf32>, vector<16xf32>, vector<16xf32>, vector<16xf32>, vector<16xf32>, vector<16xf32>, vector<16xf32>, vector<16xf32>, vector<16xf32>, vector<16xf32>, vector<16xf32>, vector<16xf32>, vector<16xf32>, vector<16xf32>, vector<16xf32>, vector<16xf32>, vector<16xf32>, vector<16xf32>, vector<16xf32>)  : i32 {
      %get3A_463 = arith.index_cast %scan3A_430 : i32 to index
      %get3A_464 = arith.constant 0 : index
      %get3A_465 = tpu.vector_load %arg15[%get3A_463, %get3A_464] {strides = array<i32>} : memref<64x16xf32, #tpu.memory_space<vmem>>, vector<16xf32>,
      %get3A_466 = arith.index_cast %scan3A_430 : i32 to index
      %get3A_467 = arith.constant 0 : index
      %get3A_468 = tpu.vector_load %arg13[%get3A_466, %get3A_467] {strides = array<i32>} : memref<64x512xf32, #tpu.memory_space<vmem>>, vector<16xf32>,
      %mul3A_469 = arith.mulf %get3A_468, %get3A_465 : vector<16xf32>
      %add3A_470 = arith.addf %scan3A_431, %mul3A_469 : vector<16xf32>
      %get3A_471 = arith.index_cast %scan3A_430 : i32 to index
      %get3A_472 = arith.constant 16 : index
      %get3A_473 = tpu.vector_load %arg13[%get3A_471, %get3A_472] {strides = array<i32>} : memref<64x512xf32, #tpu.memory_space<vmem>>, vector<16xf32>,
      %mul3A_474 = arith.mulf %get3A_473, %get3A_465 : vector<16xf32>
      %add3A_475 = arith.addf %scan3A_432, %mul3A_474 : vector<16xf32>
      %get3A_476 = arith.index_cast %scan3A_430 : i32 to index
      %get3A_477 = arith.constant 32 : index
      %get3A_478 = tpu.vector_load %arg13[%get3A_476, %get3A_477] {strides = array<i32>} : memref<64x512xf32, #tpu.memory_space<vmem>>, vector<16xf32>,
      %mul3A_479 = arith.mulf %get3A_478, %get3A_465 : vector<16xf32>
      %add3A_480 = arith.addf %scan3A_433, %mul3A_479 : vector<16xf32>
      %get3A_481 = arith.index_cast %scan3A_430 : i32 to index
      %get3A_482 = arith.constant 48 : index
      %get3A_483 = tpu.vector_load %arg13[%get3A_481, %get3A_482] {strides = array<i32>} : memref<64x512xf32, #tpu.memory_space<vmem>>, vector<16xf32>,
      %mul3A_484 = arith.mulf %get3A_483, %get3A_465 : vector<16xf32>
      %add3A_485 = arith.addf %scan3A_434, %mul3A_484 : vector<16xf32>
      %get3A_486 = arith.index_cast %scan3A_430 : i32 to index
      %get3A_487 = arith.constant 64 : index
      %get3A_488 = tpu.vector_load %arg13[%get3A_486, %get3A_487] {strides = array<i32>} : memref<64x512xf32, #tpu.memory_space<vmem>>, vector<16xf32>,
      %mul3A_489 = arith.mulf %get3A_488, %get3A_465 : vector<16xf32>
      %add3A_490 = arith.addf %scan3A_435, %mul3A_489 : vector<16xf32>
      %get3A_491 = arith.index_cast %scan3A_430 : i32 to index
      %get3A_492 = arith.constant 80 : index
      %get3A_493 = tpu.vector_load %arg13[%get3A_491, %get3A_492] {strides = array<i32>} : memref<64x512xf32, #tpu.memory_space<vmem>>, vector<16xf32>,
      %mul3A_494 = arith.mulf %get3A_493, %get3A_465 : vector<16xf32>
      %add3A_495 = arith.addf %scan3A_436, %mul3A_494 : vector<16xf32>
      %get3A_496 = arith.index_cast %scan3A_430 : i32 to index
      %get3A_497 = arith.constant 96 : index
      %get3A_498 = tpu.vector_load %arg13[%get3A_496, %get3A_497] {strides = array<i32>} : memref<64x512xf32, #tpu.memory_space<vmem>>, vector<16xf32>,
      %mul3A_499 = arith.mulf %get3A_498, %get3A_465 : vector<16xf32>
      %add3A_500 = arith.addf %scan3A_437, %mul3A_499 : vector<16xf32>
      %get3A_501 = arith.index_cast %scan3A_430 : i32 to index
      %get3A_502 = arith.constant 112 : index
      %get3A_503 = tpu.vector_load %arg13[%get3A_501, %get3A_502] {strides = array<i32>} : memref<64x512xf32, #tpu.memory_space<vmem>>, vector<16xf32>,
      %mul3A_504 = arith.mulf %get3A_503, %get3A_465 : vector<16xf32>
      %add3A_505 = arith.addf %scan3A_438, %mul3A_504 : vector<16xf32>
      %get3A_506 = arith.index_cast %scan3A_430 : i32 to index
      %get3A_507 = arith.constant 128 : index
      %get3A_508 = tpu.vector_load %arg13[%get3A_506, %get3A_507] {strides = array<i32>} : memref<64x512xf32, #tpu.memory_space<vmem>>, vector<16xf32>,
      %mul3A_509 = arith.mulf %get3A_508, %get3A_465 : vector<16xf32>
      %add3A_510 = arith.addf %scan3A_439, %mul3A_509 : vector<16xf32>
      %get3A_511 = arith.index_cast %scan3A_430 : i32 to index
      %get3A_512 = arith.constant 144 : index
      %get3A_513 = tpu.vector_load %arg13[%get3A_511, %get3A_512] {strides = array<i32>} : memref<64x512xf32, #tpu.memory_space<vmem>>, vector<16xf32>,
      %mul3A_514 = arith.mulf %get3A_513, %get3A_465 : vector<16xf32>
      %add3A_515 = arith.addf %scan3A_440, %mul3A_514 : vector<16xf32>
      %get3A_516 = arith.index_cast %scan3A_430 : i32 to index
      %get3A_517 = arith.constant 160 : index
      %get3A_518 = tpu.vector_load %arg13[%get3A_516, %get3A_517] {strides = array<i32>} : memref<64x512xf32, #tpu.memory_space<vmem>>, vector<16xf32>,
      %mul3A_519 = arith.mulf %get3A_518, %get3A_465 : vector<16xf32>
      %add3A_520 = arith.addf %scan3A_441, %mul3A_519 : vector<16xf32>
      %get3A_521 = arith.index_cast %scan3A_430 : i32 to index
      %get3A_522 = arith.constant 176 : index
      %get3A_523 = tpu.vector_load %arg13[%get3A_521, %get3A_522] {strides = array<i32>} : memref<64x512xf32, #tpu.memory_space<vmem>>, vector<16xf32>,
      %mul3A_524 = arith.mulf %get3A_523, %get3A_465 : vector<16xf32>
      %add3A_525 = arith.addf %scan3A_442, %mul3A_524 : vector<16xf32>
      %get3A_526 = arith.index_cast %scan3A_430 : i32 to index
      %get3A_527 = arith.constant 192 : index
      %get3A_528 = tpu.vector_load %arg13[%get3A_526, %get3A_527] {strides = array<i32>} : memref<64x512xf32, #tpu.memory_space<vmem>>, vector<16xf32>,
      %mul3A_529 = arith.mulf %get3A_528, %get3A_465 : vector<16xf32>
      %add3A_530 = arith.addf %scan3A_443, %mul3A_529 : vector<16xf32>
      %get3A_531 = arith.index_cast %scan3A_430 : i32 to index
      %get3A_532 = arith.constant 208 : index
      %get3A_533 = tpu.vector_load %arg13[%get3A_531, %get3A_532] {strides = array<i32>} : memref<64x512xf32, #tpu.memory_space<vmem>>, vector<16xf32>,
      %mul3A_534 = arith.mulf %get3A_533, %get3A_465 : vector<16xf32>
      %add3A_535 = arith.addf %scan3A_444, %mul3A_534 : vector<16xf32>
      %get3A_536 = arith.index_cast %scan3A_430 : i32 to index
      %get3A_537 = arith.constant 224 : index
      %get3A_538 = tpu.vector_load %arg13[%get3A_536, %get3A_537] {strides = array<i32>} : memref<64x512xf32, #tpu.memory_space<vmem>>, vector<16xf32>,
      %mul3A_539 = arith.mulf %get3A_538, %get3A_465 : vector<16xf32>
      %add3A_540 = arith.addf %scan3A_445, %mul3A_539 : vector<16xf32>
      %get3A_541 = arith.index_cast %scan3A_430 : i32 to index
      %get3A_542 = arith.constant 240 : index
      %get3A_543 = tpu.vector_load %arg13[%get3A_541, %get3A_542] {strides = array<i32>} : memref<64x512xf32, #tpu.memory_space<vmem>>, vector<16xf32>,
      %mul3A_544 = arith.mulf %get3A_543, %get3A_465 : vector<16xf32>
      %add3A_545 = arith.addf %scan3A_446, %mul3A_544 : vector<16xf32>
      %get3A_546 = arith.index_cast %scan3A_430 : i32 to index
      %get3A_547 = arith.constant 256 : index
      %get3A_548 = tpu.vector_load %arg13[%get3A_546, %get3A_547] {strides = array<i32>} : memref<64x512xf32, #tpu.memory_space<vmem>>, vector<16xf32>,
      %mul3A_549 = arith.mulf %get3A_548, %get3A_465 : vector<16xf32>
      %add3A_550 = arith.addf %scan3A_447, %mul3A_549 : vector<16xf32>
      %get3A_551 = arith.index_cast %scan3A_430 : i32 to index
      %get3A_552 = arith.constant 272 : index
      %get3A_553 = tpu.vector_load %arg13[%get3A_551, %get3A_552] {strides = array<i32>} : memref<64x512xf32, #tpu.memory_space<vmem>>, vector<16xf32>,
      %mul3A_554 = arith.mulf %get3A_553, %get3A_465 : vector<16xf32>
      %add3A_555 = arith.addf %scan3A_448, %mul3A_554 : vector<16xf32>
      %get3A_556 = arith.index_cast %scan3A_430 : i32 to index
      %get3A_557 = arith.constant 288 : index
      %get3A_558 = tpu.vector_load %arg13[%get3A_556, %get3A_557] {strides = array<i32>} : memref<64x512xf32, #tpu.memory_space<vmem>>, vector<16xf32>,
      %mul3A_559 = arith.mulf %get3A_558, %get3A_465 : vector<16xf32>
      %add3A_560 = arith.addf %scan3A_449, %mul3A_559 : vector<16xf32>
      %get3A_561 = arith.index_cast %scan3A_430 : i32 to index
      %get3A_562 = arith.constant 304 : index
      %get3A_563 = tpu.vector_load %arg13[%get3A_561, %get3A_562] {strides = array<i32>} : memref<64x512xf32, #tpu.memory_space<vmem>>, vector<16xf32>,
      %mul3A_564 = arith.mulf %get3A_563, %get3A_465 : vector<16xf32>
      %add3A_565 = arith.addf %scan3A_450, %mul3A_564 : vector<16xf32>
      %get3A_566 = arith.index_cast %scan3A_430 : i32 to index
      %get3A_567 = arith.constant 320 : index
      %get3A_568 = tpu.vector_load %arg13[%get3A_566, %get3A_567] {strides = array<i32>} : memref<64x512xf32, #tpu.memory_space<vmem>>, vector<16xf32>,
      %mul3A_569 = arith.mulf %get3A_568, %get3A_465 : vector<16xf32>
      %add3A_570 = arith.addf %scan3A_451, %mul3A_569 : vector<16xf32>
      %get3A_571 = arith.index_cast %scan3A_430 : i32 to index
      %get3A_572 = arith.constant 336 : index
      %get3A_573 = tpu.vector_load %arg13[%get3A_571, %get3A_572] {strides = array<i32>} : memref<64x512xf32, #tpu.memory_space<vmem>>, vector<16xf32>,
      %mul3A_574 = arith.mulf %get3A_573, %get3A_465 : vector<16xf32>
      %add3A_575 = arith.addf %scan3A_452, %mul3A_574 : vector<16xf32>
      %get3A_576 = arith.index_cast %scan3A_430 : i32 to index
      %get3A_577 = arith.constant 352 : index
      %get3A_578 = tpu.vector_load %arg13[%get3A_576, %get3A_577] {strides = array<i32>} : memref<64x512xf32, #tpu.memory_space<vmem>>, vector<16xf32>,
      %mul3A_579 = arith.mulf %get3A_578, %get3A_465 : vector<16xf32>
      %add3A_580 = arith.addf %scan3A_453, %mul3A_579 : vector<16xf32>
      %get3A_581 = arith.index_cast %scan3A_430 : i32 to index
      %get3A_582 = arith.constant 368 : index
      %get3A_583 = tpu.vector_load %arg13[%get3A_581, %get3A_582] {strides = array<i32>} : memref<64x512xf32, #tpu.memory_space<vmem>>, vector<16xf32>,
      %mul3A_584 = arith.mulf %get3A_583, %get3A_465 : vector<16xf32>
      %add3A_585 = arith.addf %scan3A_454, %mul3A_584 : vector<16xf32>
      %get3A_586 = arith.index_cast %scan3A_430 : i32 to index
      %get3A_587 = arith.constant 384 : index
      %get3A_588 = tpu.vector_load %arg13[%get3A_586, %get3A_587] {strides = array<i32>} : memref<64x512xf32, #tpu.memory_space<vmem>>, vector<16xf32>,
      %mul3A_589 = arith.mulf %get3A_588, %get3A_465 : vector<16xf32>
      %add3A_590 = arith.addf %scan3A_455, %mul3A_589 : vector<16xf32>
      %get3A_591 = arith.index_cast %scan3A_430 : i32 to index
      %get3A_592 = arith.constant 400 : index
      %get3A_593 = tpu.vector_load %arg13[%get3A_591, %get3A_592] {strides = array<i32>} : memref<64x512xf32, #tpu.memory_space<vmem>>, vector<16xf32>,
      %mul3A_594 = arith.mulf %get3A_593, %get3A_465 : vector<16xf32>
      %add3A_595 = arith.addf %scan3A_456, %mul3A_594 : vector<16xf32>
      %get3A_596 = arith.index_cast %scan3A_430 : i32 to index
      %get3A_597 = arith.constant 416 : index
      %get3A_598 = tpu.vector_load %arg13[%get3A_596, %get3A_597] {strides = array<i32>} : memref<64x512xf32, #tpu.memory_space<vmem>>, vector<16xf32>,
      %mul3A_599 = arith.mulf %get3A_598, %get3A_465 : vector<16xf32>
      %add3A_600 = arith.addf %scan3A_457, %mul3A_599 : vector<16xf32>
      %get3A_601 = arith.index_cast %scan3A_430 : i32 to index
      %get3A_602 = arith.constant 432 : index
      %get3A_603 = tpu.vector_load %arg13[%get3A_601, %get3A_602] {strides = array<i32>} : memref<64x512xf32, #tpu.memory_space<vmem>>, vector<16xf32>,
      %mul3A_604 = arith.mulf %get3A_603, %get3A_465 : vector<16xf32>
      %add3A_605 = arith.addf %scan3A_458, %mul3A_604 : vector<16xf32>
      %get3A_606 = arith.index_cast %scan3A_430 : i32 to index
      %get3A_607 = arith.constant 448 : index
      %get3A_608 = tpu.vector_load %arg13[%get3A_606, %get3A_607] {strides = array<i32>} : memref<64x512xf32, #tpu.memory_space<vmem>>, vector<16xf32>,
      %mul3A_609 = arith.mulf %get3A_608, %get3A_465 : vector<16xf32>
      %add3A_610 = arith.addf %scan3A_459, %mul3A_609 : vector<16xf32>
      %get3A_611 = arith.index_cast %scan3A_430 : i32 to index
      %get3A_612 = arith.constant 464 : index
      %get3A_613 = tpu.vector_load %arg13[%get3A_611, %get3A_612] {strides = array<i32>} : memref<64x512xf32, #tpu.memory_space<vmem>>, vector<16xf32>,
      %mul3A_614 = arith.mulf %get3A_613, %get3A_465 : vector<16xf32>
      %add3A_615 = arith.addf %scan3A_460, %mul3A_614 : vector<16xf32>
      %get3A_616 = arith.index_cast %scan3A_430 : i32 to index
      %get3A_617 = arith.constant 480 : index
      %get3A_618 = tpu.vector_load %arg13[%get3A_616, %get3A_617] {strides = array<i32>} : memref<64x512xf32, #tpu.memory_space<vmem>>, vector<16xf32>,
      %mul3A_619 = arith.mulf %get3A_618, %get3A_465 : vector<16xf32>
      %add3A_620 = arith.addf %scan3A_461, %mul3A_619 : vector<16xf32>
      %get3A_621 = arith.index_cast %scan3A_430 : i32 to index
      %get3A_622 = arith.constant 496 : index
      %get3A_623 = tpu.vector_load %arg13[%get3A_621, %get3A_622] {strides = array<i32>} : memref<64x512xf32, #tpu.memory_space<vmem>>, vector<16xf32>,
      %mul3A_624 = arith.mulf %get3A_623, %get3A_465 : vector<16xf32>
      %add3A_625 = arith.addf %scan3A_462, %mul3A_624 : vector<16xf32>
      scf.yield %add3A_470, %add3A_475, %add3A_480, %add3A_485, %add3A_490, %add3A_495, %add3A_500, %add3A_505, %add3A_510, %add3A_515, %add3A_520, %add3A_525, %add3A_530, %add3A_535, %add3A_540, %add3A_545, %add3A_550, %add3A_555, %add3A_560, %add3A_565, %add3A_570, %add3A_575, %add3A_580, %add3A_585, %add3A_590, %add3A_595, %add3A_600, %add3A_605, %add3A_610, %add3A_615, %add3A_620, %add3A_625 : vector<16xf32>, vector<16xf32>, vector<16xf32>, vector<16xf32>, vector<16xf32>, vector<16xf32>, vector<16xf32>, vector<16xf32>, vector<16xf32>, vector<16xf32>, vector<16xf32>, vector<16xf32>, vector<16xf32>, vector<16xf32>, vector<16xf32>, vector<16xf32>, vector<16xf32>, vector<16xf32>, vector<16xf32>, vector<16xf32>, vector<16xf32>, vector<16xf32>, vector<16xf32>, vector<16xf32>, vector<16xf32>, vector<16xf32>, vector<16xf32>, vector<16xf32>, vector<16xf32>, vector<16xf32>, vector<16xf32>, vector<16xf32>
    }
    %scan3A_126 = arith.constant 32 : i32
    %dma_wait3A_127 = arith.constant 32 : i32
    %dma_wait3A_128 = arith.constant 0 : i32
    %dma_wait3A_129 = tpu.memref_slice %arg13[%dma_wait3A_127, %dma_wait3A_128] : memref<64x512xf32, #tpu.memory_space<vmem>> -> memref<32x512xf32, #tpu.memory_space<vmem>>
    %dma_wait3A_130 = arith.constant 32 : i32
    %dma_wait3A_131 = tpu.memref_slice %arg4[%dma_wait3A_130, %mul3A_2] : memref<64x16384xf32, #tpu.memory_space<hbm>> -> memref<32x512xf32, #tpu.memory_space<hbm>>
    %dma_wait3A_132 = arith.constant 32 : i32
    %dma_wait3A_133 = arith.constant 0 : i32
    %dma_wait3A_134 = tpu.memref_slice %arg13[%dma_wait3A_132, %dma_wait3A_133] : memref<64x512xf32, #tpu.memory_space<vmem>> -> memref<32x512xf32, #tpu.memory_space<vmem>>
    %dma_wait3A_135 = arith.constant 32 : i32
    %dma_wait3A_136 = tpu.memref_slice %arg4[%dma_wait3A_135, %mul3A_2] : memref<64x16384xf32, #tpu.memory_space<hbm>> -> memref<32x512xf32, #tpu.memory_space<hbm>>
    tpu.wait_dma2 semaphore(%arg20 : memref<!tpu.dma_semaphore, #tpu.memory_space<semaphore_mem>>) src(%dma_wait3A_136 : memref<32x512xf32, #tpu.memory_space<hbm>>) dst(%dma_wait3A_134 : memref<32x512xf32, #tpu.memory_space<vmem>>)
    %scan3A_137 = arith.constant 32 : i32
    %scan3A_138 = arith.constant 32 : i32
    %scan3A_139 = arith.addi %scan3A_137, %scan3A_138 : i32
    %scan3A_140 = arith.constant 1 : i32
    %scan3A_141:32 = scf.for %scan3A_430 = %scan3A_137 to %scan3A_139 step %scan3A_140 iter_args(%scan3A_431 = %scan3A_125#0, %scan3A_432 = %scan3A_125#1, %scan3A_433 = %scan3A_125#2, %scan3A_434 = %scan3A_125#3, %scan3A_435 = %scan3A_125#4, %scan3A_436 = %scan3A_125#5, %scan3A_437 = %scan3A_125#6, %scan3A_438 = %scan3A_125#7, %scan3A_439 = %scan3A_125#8, %scan3A_440 = %scan3A_125#9, %scan3A_441 = %scan3A_125#10, %scan3A_442 = %scan3A_125#11, %scan3A_443 = %scan3A_125#12, %scan3A_444 = %scan3A_125#13, %scan3A_445 = %scan3A_125#14, %scan3A_446 = %scan3A_125#15, %scan3A_447 = %scan3A_125#16, %scan3A_448 = %scan3A_125#17, %scan3A_449 = %scan3A_125#18, %scan3A_450 = %scan3A_125#19, %scan3A_451 = %scan3A_125#20, %scan3A_452 = %scan3A_125#21, %scan3A_453 = %scan3A_125#22, %scan3A_454 = %scan3A_125#23, %scan3A_455 = %scan3A_125#24, %scan3A_456 = %scan3A_125#25, %scan3A_457 = %scan3A_125#26, %scan3A_458 = %scan3A_125#27, %scan3A_459 = %scan3A_125#28, %scan3A_460 = %scan3A_125#29, %scan3A_461 = %scan3A_125#30, %scan3A_462 = %scan3A_125#31) -> (vector<16xf32>, vector<16xf32>, vector<16xf32>, vector<16xf32>, vector<16xf32>, vector<16xf32>, vector<16xf32>, vector<16xf32>, vector<16xf32>, vector<16xf32>, vector<16xf32>, vector<16xf32>, vector<16xf32>, vector<16xf32>, vector<16xf32>, vector<16xf32>, vector<16xf32>, vector<16xf32>, vector<16xf32>, vector<16xf32>, vector<16xf32>, vector<16xf32>, vector<16xf32>, vector<16xf32>, vector<16xf32>, vector<16xf32>, vector<16xf32>, vector<16xf32>, vector<16xf32>, vector<16xf32>, vector<16xf32>, vector<16xf32>)  : i32 {
      %get3A_463 = arith.index_cast %scan3A_430 : i32 to index
      %get3A_464 = arith.constant 0 : index
      %get3A_465 = tpu.vector_load %arg15[%get3A_463, %get3A_464] {strides = array<i32>} : memref<64x16xf32, #tpu.memory_space<vmem>>, vector<16xf32>,
      %get3A_466 = arith.index_cast %scan3A_430 : i32 to index
      %get3A_467 = arith.constant 0 : index
      %get3A_468 = tpu.vector_load %arg13[%get3A_466, %get3A_467] {strides = array<i32>} : memref<64x512xf32, #tpu.memory_space<vmem>>, vector<16xf32>,
      %mul3A_469 = arith.mulf %get3A_468, %get3A_465 : vector<16xf32>
      %add3A_470 = arith.addf %scan3A_431, %mul3A_469 : vector<16xf32>
      %get3A_471 = arith.index_cast %scan3A_430 : i32 to index
      %get3A_472 = arith.constant 16 : index
      %get3A_473 = tpu.vector_load %arg13[%get3A_471, %get3A_472] {strides = array<i32>} : memref<64x512xf32, #tpu.memory_space<vmem>>, vector<16xf32>,
      %mul3A_474 = arith.mulf %get3A_473, %get3A_465 : vector<16xf32>
      %add3A_475 = arith.addf %scan3A_432, %mul3A_474 : vector<16xf32>
      %get3A_476 = arith.index_cast %scan3A_430 : i32 to index
      %get3A_477 = arith.constant 32 : index
      %get3A_478 = tpu.vector_load %arg13[%get3A_476, %get3A_477] {strides = array<i32>} : memref<64x512xf32, #tpu.memory_space<vmem>>, vector<16xf32>,
      %mul3A_479 = arith.mulf %get3A_478, %get3A_465 : vector<16xf32>
      %add3A_480 = arith.addf %scan3A_433, %mul3A_479 : vector<16xf32>
      %get3A_481 = arith.index_cast %scan3A_430 : i32 to index
      %get3A_482 = arith.constant 48 : index
      %get3A_483 = tpu.vector_load %arg13[%get3A_481, %get3A_482] {strides = array<i32>} : memref<64x512xf32, #tpu.memory_space<vmem>>, vector<16xf32>,
      %mul3A_484 = arith.mulf %get3A_483, %get3A_465 : vector<16xf32>
      %add3A_485 = arith.addf %scan3A_434, %mul3A_484 : vector<16xf32>
      %get3A_486 = arith.index_cast %scan3A_430 : i32 to index
      %get3A_487 = arith.constant 64 : index
      %get3A_488 = tpu.vector_load %arg13[%get3A_486, %get3A_487] {strides = array<i32>} : memref<64x512xf32, #tpu.memory_space<vmem>>, vector<16xf32>,
      %mul3A_489 = arith.mulf %get3A_488, %get3A_465 : vector<16xf32>
      %add3A_490 = arith.addf %scan3A_435, %mul3A_489 : vector<16xf32>
      %get3A_491 = arith.index_cast %scan3A_430 : i32 to index
      %get3A_492 = arith.constant 80 : index
      %get3A_493 = tpu.vector_load %arg13[%get3A_491, %get3A_492] {strides = array<i32>} : memref<64x512xf32, #tpu.memory_space<vmem>>, vector<16xf32>,
      %mul3A_494 = arith.mulf %get3A_493, %get3A_465 : vector<16xf32>
      %add3A_495 = arith.addf %scan3A_436, %mul3A_494 : vector<16xf32>
      %get3A_496 = arith.index_cast %scan3A_430 : i32 to index
      %get3A_497 = arith.constant 96 : index
      %get3A_498 = tpu.vector_load %arg13[%get3A_496, %get3A_497] {strides = array<i32>} : memref<64x512xf32, #tpu.memory_space<vmem>>, vector<16xf32>,
      %mul3A_499 = arith.mulf %get3A_498, %get3A_465 : vector<16xf32>
      %add3A_500 = arith.addf %scan3A_437, %mul3A_499 : vector<16xf32>
      %get3A_501 = arith.index_cast %scan3A_430 : i32 to index
      %get3A_502 = arith.constant 112 : index
      %get3A_503 = tpu.vector_load %arg13[%get3A_501, %get3A_502] {strides = array<i32>} : memref<64x512xf32, #tpu.memory_space<vmem>>, vector<16xf32>,
      %mul3A_504 = arith.mulf %get3A_503, %get3A_465 : vector<16xf32>
      %add3A_505 = arith.addf %scan3A_438, %mul3A_504 : vector<16xf32>
      %get3A_506 = arith.index_cast %scan3A_430 : i32 to index
      %get3A_507 = arith.constant 128 : index
      %get3A_508 = tpu.vector_load %arg13[%get3A_506, %get3A_507] {strides = array<i32>} : memref<64x512xf32, #tpu.memory_space<vmem>>, vector<16xf32>,
      %mul3A_509 = arith.mulf %get3A_508, %get3A_465 : vector<16xf32>
      %add3A_510 = arith.addf %scan3A_439, %mul3A_509 : vector<16xf32>
      %get3A_511 = arith.index_cast %scan3A_430 : i32 to index
      %get3A_512 = arith.constant 144 : index
      %get3A_513 = tpu.vector_load %arg13[%get3A_511, %get3A_512] {strides = array<i32>} : memref<64x512xf32, #tpu.memory_space<vmem>>, vector<16xf32>,
      %mul3A_514 = arith.mulf %get3A_513, %get3A_465 : vector<16xf32>
      %add3A_515 = arith.addf %scan3A_440, %mul3A_514 : vector<16xf32>
      %get3A_516 = arith.index_cast %scan3A_430 : i32 to index
      %get3A_517 = arith.constant 160 : index
      %get3A_518 = tpu.vector_load %arg13[%get3A_516, %get3A_517] {strides = array<i32>} : memref<64x512xf32, #tpu.memory_space<vmem>>, vector<16xf32>,
      %mul3A_519 = arith.mulf %get3A_518, %get3A_465 : vector<16xf32>
      %add3A_520 = arith.addf %scan3A_441, %mul3A_519 : vector<16xf32>
      %get3A_521 = arith.index_cast %scan3A_430 : i32 to index
      %get3A_522 = arith.constant 176 : index
      %get3A_523 = tpu.vector_load %arg13[%get3A_521, %get3A_522] {strides = array<i32>} : memref<64x512xf32, #tpu.memory_space<vmem>>, vector<16xf32>,
      %mul3A_524 = arith.mulf %get3A_523, %get3A_465 : vector<16xf32>
      %add3A_525 = arith.addf %scan3A_442, %mul3A_524 : vector<16xf32>
      %get3A_526 = arith.index_cast %scan3A_430 : i32 to index
      %get3A_527 = arith.constant 192 : index
      %get3A_528 = tpu.vector_load %arg13[%get3A_526, %get3A_527] {strides = array<i32>} : memref<64x512xf32, #tpu.memory_space<vmem>>, vector<16xf32>,
      %mul3A_529 = arith.mulf %get3A_528, %get3A_465 : vector<16xf32>
      %add3A_530 = arith.addf %scan3A_443, %mul3A_529 : vector<16xf32>
      %get3A_531 = arith.index_cast %scan3A_430 : i32 to index
      %get3A_532 = arith.constant 208 : index
      %get3A_533 = tpu.vector_load %arg13[%get3A_531, %get3A_532] {strides = array<i32>} : memref<64x512xf32, #tpu.memory_space<vmem>>, vector<16xf32>,
      %mul3A_534 = arith.mulf %get3A_533, %get3A_465 : vector<16xf32>
      %add3A_535 = arith.addf %scan3A_444, %mul3A_534 : vector<16xf32>
      %get3A_536 = arith.index_cast %scan3A_430 : i32 to index
      %get3A_537 = arith.constant 224 : index
      %get3A_538 = tpu.vector_load %arg13[%get3A_536, %get3A_537] {strides = array<i32>} : memref<64x512xf32, #tpu.memory_space<vmem>>, vector<16xf32>,
      %mul3A_539 = arith.mulf %get3A_538, %get3A_465 : vector<16xf32>
      %add3A_540 = arith.addf %scan3A_445, %mul3A_539 : vector<16xf32>
      %get3A_541 = arith.index_cast %scan3A_430 : i32 to index
      %get3A_542 = arith.constant 240 : index
      %get3A_543 = tpu.vector_load %arg13[%get3A_541, %get3A_542] {strides = array<i32>} : memref<64x512xf32, #tpu.memory_space<vmem>>, vector<16xf32>,
      %mul3A_544 = arith.mulf %get3A_543, %get3A_465 : vector<16xf32>
      %add3A_545 = arith.addf %scan3A_446, %mul3A_544 : vector<16xf32>
      %get3A_546 = arith.index_cast %scan3A_430 : i32 to index
      %get3A_547 = arith.constant 256 : index
      %get3A_548 = tpu.vector_load %arg13[%get3A_546, %get3A_547] {strides = array<i32>} : memref<64x512xf32, #tpu.memory_space<vmem>>, vector<16xf32>,
      %mul3A_549 = arith.mulf %get3A_548, %get3A_465 : vector<16xf32>
      %add3A_550 = arith.addf %scan3A_447, %mul3A_549 : vector<16xf32>
      %get3A_551 = arith.index_cast %scan3A_430 : i32 to index
      %get3A_552 = arith.constant 272 : index
      %get3A_553 = tpu.vector_load %arg13[%get3A_551, %get3A_552] {strides = array<i32>} : memref<64x512xf32, #tpu.memory_space<vmem>>, vector<16xf32>,
      %mul3A_554 = arith.mulf %get3A_553, %get3A_465 : vector<16xf32>
      %add3A_555 = arith.addf %scan3A_448, %mul3A_554 : vector<16xf32>
      %get3A_556 = arith.index_cast %scan3A_430 : i32 to index
      %get3A_557 = arith.constant 288 : index
      %get3A_558 = tpu.vector_load %arg13[%get3A_556, %get3A_557] {strides = array<i32>} : memref<64x512xf32, #tpu.memory_space<vmem>>, vector<16xf32>,
      %mul3A_559 = arith.mulf %get3A_558, %get3A_465 : vector<16xf32>
      %add3A_560 = arith.addf %scan3A_449, %mul3A_559 : vector<16xf32>
      %get3A_561 = arith.index_cast %scan3A_430 : i32 to index
      %get3A_562 = arith.constant 304 : index
      %get3A_563 = tpu.vector_load %arg13[%get3A_561, %get3A_562] {strides = array<i32>} : memref<64x512xf32, #tpu.memory_space<vmem>>, vector<16xf32>,
      %mul3A_564 = arith.mulf %get3A_563, %get3A_465 : vector<16xf32>
      %add3A_565 = arith.addf %scan3A_450, %mul3A_564 : vector<16xf32>
      %get3A_566 = arith.index_cast %scan3A_430 : i32 to index
      %get3A_567 = arith.constant 320 : index
      %get3A_568 = tpu.vector_load %arg13[%get3A_566, %get3A_567] {strides = array<i32>} : memref<64x512xf32, #tpu.memory_space<vmem>>, vector<16xf32>,
      %mul3A_569 = arith.mulf %get3A_568, %get3A_465 : vector<16xf32>
      %add3A_570 = arith.addf %scan3A_451, %mul3A_569 : vector<16xf32>
      %get3A_571 = arith.index_cast %scan3A_430 : i32 to index
      %get3A_572 = arith.constant 336 : index
      %get3A_573 = tpu.vector_load %arg13[%get3A_571, %get3A_572] {strides = array<i32>} : memref<64x512xf32, #tpu.memory_space<vmem>>, vector<16xf32>,
      %mul3A_574 = arith.mulf %get3A_573, %get3A_465 : vector<16xf32>
      %add3A_575 = arith.addf %scan3A_452, %mul3A_574 : vector<16xf32>
      %get3A_576 = arith.index_cast %scan3A_430 : i32 to index
      %get3A_577 = arith.constant 352 : index
      %get3A_578 = tpu.vector_load %arg13[%get3A_576, %get3A_577] {strides = array<i32>} : memref<64x512xf32, #tpu.memory_space<vmem>>, vector<16xf32>,
      %mul3A_579 = arith.mulf %get3A_578, %get3A_465 : vector<16xf32>
      %add3A_580 = arith.addf %scan3A_453, %mul3A_579 : vector<16xf32>
      %get3A_581 = arith.index_cast %scan3A_430 : i32 to index
      %get3A_582 = arith.constant 368 : index
      %get3A_583 = tpu.vector_load %arg13[%get3A_581, %get3A_582] {strides = array<i32>} : memref<64x512xf32, #tpu.memory_space<vmem>>, vector<16xf32>,
      %mul3A_584 = arith.mulf %get3A_583, %get3A_465 : vector<16xf32>
      %add3A_585 = arith.addf %scan3A_454, %mul3A_584 : vector<16xf32>
      %get3A_586 = arith.index_cast %scan3A_430 : i32 to index
      %get3A_587 = arith.constant 384 : index
      %get3A_588 = tpu.vector_load %arg13[%get3A_586, %get3A_587] {strides = array<i32>} : memref<64x512xf32, #tpu.memory_space<vmem>>, vector<16xf32>,
      %mul3A_589 = arith.mulf %get3A_588, %get3A_465 : vector<16xf32>
      %add3A_590 = arith.addf %scan3A_455, %mul3A_589 : vector<16xf32>
      %get3A_591 = arith.index_cast %scan3A_430 : i32 to index
      %get3A_592 = arith.constant 400 : index
      %get3A_593 = tpu.vector_load %arg13[%get3A_591, %get3A_592] {strides = array<i32>} : memref<64x512xf32, #tpu.memory_space<vmem>>, vector<16xf32>,
      %mul3A_594 = arith.mulf %get3A_593, %get3A_465 : vector<16xf32>
      %add3A_595 = arith.addf %scan3A_456, %mul3A_594 : vector<16xf32>
      %get3A_596 = arith.index_cast %scan3A_430 : i32 to index
      %get3A_597 = arith.constant 416 : index
      %get3A_598 = tpu.vector_load %arg13[%get3A_596, %get3A_597] {strides = array<i32>} : memref<64x512xf32, #tpu.memory_space<vmem>>, vector<16xf32>,
      %mul3A_599 = arith.mulf %get3A_598, %get3A_465 : vector<16xf32>
      %add3A_600 = arith.addf %scan3A_457, %mul3A_599 : vector<16xf32>
      %get3A_601 = arith.index_cast %scan3A_430 : i32 to index
      %get3A_602 = arith.constant 432 : index
      %get3A_603 = tpu.vector_load %arg13[%get3A_601, %get3A_602] {strides = array<i32>} : memref<64x512xf32, #tpu.memory_space<vmem>>, vector<16xf32>,
      %mul3A_604 = arith.mulf %get3A_603, %get3A_465 : vector<16xf32>
      %add3A_605 = arith.addf %scan3A_458, %mul3A_604 : vector<16xf32>
      %get3A_606 = arith.index_cast %scan3A_430 : i32 to index
      %get3A_607 = arith.constant 448 : index
      %get3A_608 = tpu.vector_load %arg13[%get3A_606, %get3A_607] {strides = array<i32>} : memref<64x512xf32, #tpu.memory_space<vmem>>, vector<16xf32>,
      %mul3A_609 = arith.mulf %get3A_608, %get3A_465 : vector<16xf32>
      %add3A_610 = arith.addf %scan3A_459, %mul3A_609 : vector<16xf32>
      %get3A_611 = arith.index_cast %scan3A_430 : i32 to index
      %get3A_612 = arith.constant 464 : index
      %get3A_613 = tpu.vector_load %arg13[%get3A_611, %get3A_612] {strides = array<i32>} : memref<64x512xf32, #tpu.memory_space<vmem>>, vector<16xf32>,
      %mul3A_614 = arith.mulf %get3A_613, %get3A_465 : vector<16xf32>
      %add3A_615 = arith.addf %scan3A_460, %mul3A_614 : vector<16xf32>
      %get3A_616 = arith.index_cast %scan3A_430 : i32 to index
      %get3A_617 = arith.constant 480 : index
      %get3A_618 = tpu.vector_load %arg13[%get3A_616, %get3A_617] {strides = array<i32>} : memref<64x512xf32, #tpu.memory_space<vmem>>, vector<16xf32>,
      %mul3A_619 = arith.mulf %get3A_618, %get3A_465 : vector<16xf32>
      %add3A_620 = arith.addf %scan3A_461, %mul3A_619 : vector<16xf32>
      %get3A_621 = arith.index_cast %scan3A_430 : i32 to index
      %get3A_622 = arith.constant 496 : index
      %get3A_623 = tpu.vector_load %arg13[%get3A_621, %get3A_622] {strides = array<i32>} : memref<64x512xf32, #tpu.memory_space<vmem>>, vector<16xf32>,
      %mul3A_624 = arith.mulf %get3A_623, %get3A_465 : vector<16xf32>
      %add3A_625 = arith.addf %scan3A_462, %mul3A_624 : vector<16xf32>
      scf.yield %add3A_470, %add3A_475, %add3A_480, %add3A_485, %add3A_490, %add3A_495, %add3A_500, %add3A_505, %add3A_510, %add3A_515, %add3A_520, %add3A_525, %add3A_530, %add3A_535, %add3A_540, %add3A_545, %add3A_550, %add3A_555, %add3A_560, %add3A_565, %add3A_570, %add3A_575, %add3A_580, %add3A_585, %add3A_590, %add3A_595, %add3A_600, %add3A_605, %add3A_610, %add3A_615, %add3A_620, %add3A_625 : vector<16xf32>, vector<16xf32>, vector<16xf32>, vector<16xf32>, vector<16xf32>, vector<16xf32>, vector<16xf32>, vector<16xf32>, vector<16xf32>, vector<16xf32>, vector<16xf32>, vector<16xf32>, vector<16xf32>, vector<16xf32>, vector<16xf32>, vector<16xf32>, vector<16xf32>, vector<16xf32>, vector<16xf32>, vector<16xf32>, vector<16xf32>, vector<16xf32>, vector<16xf32>, vector<16xf32>, vector<16xf32>, vector<16xf32>, vector<16xf32>, vector<16xf32>, vector<16xf32>, vector<16xf32>, vector<16xf32>, vector<16xf32>
    }
    %scan3A_142 = arith.constant 32 : i32
    %get3A_143 = arith.constant 0 : index
    %get3A_144 = tpu.vector_load %arg11[%get3A_143] {strides = array<i32>} : memref<512xf32, #tpu.memory_space<vmem>>, vector<16xf32>,
    %get3A_145 = arith.constant 0 : index
    %get3A_146 = tpu.vector_load %arg12[%get3A_145] {strides = array<i32>} : memref<512xf32, #tpu.memory_space<vmem>>, vector<16xf32>,
    %sub3A = arith.subf %get3A_144, %get3A_146 : vector<16xf32>
    %add3A_147 = arith.addf %sub3A, %get3A_110 : vector<16xf32>
    %add3A_148 = arith.addf %add3A_147, %scan3A_141#0 : vector<16xf32>
    %swap3A_149 = arith.constant 0 : index
    %swap3A_150 = tpu.vector_load %arg18[%swap3A_149] {strides = array<i32>} : memref<512xf32, #tpu.memory_space<vmem>>, vector<16xf32>,
    tpu.vector_store %arg18[%swap3A_149], %add3A_148 {strides = array<i32>} : memref<512xf32, #tpu.memory_space<vmem>>, vector<16xf32>,
    %get3A_151 = arith.constant 16 : index
    %get3A_152 = tpu.vector_load %arg11[%get3A_151] {strides = array<i32>} : memref<512xf32, #tpu.memory_space<vmem>>, vector<16xf32>,
    %get3A_153 = arith.constant 16 : index
    %get3A_154 = tpu.vector_load %arg12[%get3A_153] {strides = array<i32>} : memref<512xf32, #tpu.memory_space<vmem>>, vector<16xf32>,
    %sub3A_155 = arith.subf %get3A_152, %get3A_154 : vector<16xf32>
    %add3A_156 = arith.addf %sub3A_155, %get3A_110 : vector<16xf32>
    %add3A_157 = arith.addf %add3A_156, %scan3A_141#1 : vector<16xf32>
    %swap3A_158 = arith.constant 16 : index
    %swap3A_159 = tpu.vector_load %arg18[%swap3A_158] {strides = array<i32>} : memref<512xf32, #tpu.memory_space<vmem>>, vector<16xf32>,
    tpu.vector_store %arg18[%swap3A_158], %add3A_157 {strides = array<i32>} : memref<512xf32, #tpu.memory_space<vmem>>, vector<16xf32>,
    %get3A_160 = arith.constant 32 : index
    %get3A_161 = tpu.vector_load %arg11[%get3A_160] {strides = array<i32>} : memref<512xf32, #tpu.memory_space<vmem>>, vector<16xf32>,
    %get3A_162 = arith.constant 32 : index
    %get3A_163 = tpu.vector_load %arg12[%get3A_162] {strides = array<i32>} : memref<512xf32, #tpu.memory_space<vmem>>, vector<16xf32>,
    %sub3A_164 = arith.subf %get3A_161, %get3A_163 : vector<16xf32>
    %add3A_165 = arith.addf %sub3A_164, %get3A_110 : vector<16xf32>
    %add3A_166 = arith.addf %add3A_165, %scan3A_141#2 : vector<16xf32>
    %swap3A_167 = arith.constant 32 : index
    %swap3A_168 = tpu.vector_load %arg18[%swap3A_167] {strides = array<i32>} : memref<512xf32, #tpu.memory_space<vmem>>, vector<16xf32>,
    tpu.vector_store %arg18[%swap3A_167], %add3A_166 {strides = array<i32>} : memref<512xf32, #tpu.memory_space<vmem>>, vector<16xf32>,
    %get3A_169 = arith.constant 48 : index
    %get3A_170 = tpu.vector_load %arg11[%get3A_169] {strides = array<i32>} : memref<512xf32, #tpu.memory_space<vmem>>, vector<16xf32>,
    %get3A_171 = arith.constant 48 : index
    %get3A_172 = tpu.vector_load %arg12[%get3A_171] {strides = array<i32>} : memref<512xf32, #tpu.memory_space<vmem>>, vector<16xf32>,
    %sub3A_173 = arith.subf %get3A_170, %get3A_172 : vector<16xf32>
    %add3A_174 = arith.addf %sub3A_173, %get3A_110 : vector<16xf32>
    %add3A_175 = arith.addf %add3A_174, %scan3A_141#3 : vector<16xf32>
    %swap3A_176 = arith.constant 48 : index
    %swap3A_177 = tpu.vector_load %arg18[%swap3A_176] {strides = array<i32>} : memref<512xf32, #tpu.memory_space<vmem>>, vector<16xf32>,
    tpu.vector_store %arg18[%swap3A_176], %add3A_175 {strides = array<i32>} : memref<512xf32, #tpu.memory_space<vmem>>, vector<16xf32>,
    %get3A_178 = arith.constant 64 : index
    %get3A_179 = tpu.vector_load %arg11[%get3A_178] {strides = array<i32>} : memref<512xf32, #tpu.memory_space<vmem>>, vector<16xf32>,
    %get3A_180 = arith.constant 64 : index
    %get3A_181 = tpu.vector_load %arg12[%get3A_180] {strides = array<i32>} : memref<512xf32, #tpu.memory_space<vmem>>, vector<16xf32>,
    %sub3A_182 = arith.subf %get3A_179, %get3A_181 : vector<16xf32>
    %add3A_183 = arith.addf %sub3A_182, %get3A_110 : vector<16xf32>
    %add3A_184 = arith.addf %add3A_183, %scan3A_141#4 : vector<16xf32>
    %swap3A_185 = arith.constant 64 : index
    %swap3A_186 = tpu.vector_load %arg18[%swap3A_185] {strides = array<i32>} : memref<512xf32, #tpu.memory_space<vmem>>, vector<16xf32>,
    tpu.vector_store %arg18[%swap3A_185], %add3A_184 {strides = array<i32>} : memref<512xf32, #tpu.memory_space<vmem>>, vector<16xf32>,
    %get3A_187 = arith.constant 80 : index
    %get3A_188 = tpu.vector_load %arg11[%get3A_187] {strides = array<i32>} : memref<512xf32, #tpu.memory_space<vmem>>, vector<16xf32>,
    %get3A_189 = arith.constant 80 : index
    %get3A_190 = tpu.vector_load %arg12[%get3A_189] {strides = array<i32>} : memref<512xf32, #tpu.memory_space<vmem>>, vector<16xf32>,
    %sub3A_191 = arith.subf %get3A_188, %get3A_190 : vector<16xf32>
    %add3A_192 = arith.addf %sub3A_191, %get3A_110 : vector<16xf32>
    %add3A_193 = arith.addf %add3A_192, %scan3A_141#5 : vector<16xf32>
    %swap3A_194 = arith.constant 80 : index
    %swap3A_195 = tpu.vector_load %arg18[%swap3A_194] {strides = array<i32>} : memref<512xf32, #tpu.memory_space<vmem>>, vector<16xf32>,
    tpu.vector_store %arg18[%swap3A_194], %add3A_193 {strides = array<i32>} : memref<512xf32, #tpu.memory_space<vmem>>, vector<16xf32>,
    %get3A_196 = arith.constant 96 : index
    %get3A_197 = tpu.vector_load %arg11[%get3A_196] {strides = array<i32>} : memref<512xf32, #tpu.memory_space<vmem>>, vector<16xf32>,
    %get3A_198 = arith.constant 96 : index
    %get3A_199 = tpu.vector_load %arg12[%get3A_198] {strides = array<i32>} : memref<512xf32, #tpu.memory_space<vmem>>, vector<16xf32>,
    %sub3A_200 = arith.subf %get3A_197, %get3A_199 : vector<16xf32>
    %add3A_201 = arith.addf %sub3A_200, %get3A_110 : vector<16xf32>
    %add3A_202 = arith.addf %add3A_201, %scan3A_141#6 : vector<16xf32>
    %swap3A_203 = arith.constant 96 : index
    %swap3A_204 = tpu.vector_load %arg18[%swap3A_203] {strides = array<i32>} : memref<512xf32, #tpu.memory_space<vmem>>, vector<16xf32>,
    tpu.vector_store %arg18[%swap3A_203], %add3A_202 {strides = array<i32>} : memref<512xf32, #tpu.memory_space<vmem>>, vector<16xf32>,
    %get3A_205 = arith.constant 112 : index
    %get3A_206 = tpu.vector_load %arg11[%get3A_205] {strides = array<i32>} : memref<512xf32, #tpu.memory_space<vmem>>, vector<16xf32>,
    %get3A_207 = arith.constant 112 : index
    %get3A_208 = tpu.vector_load %arg12[%get3A_207] {strides = array<i32>} : memref<512xf32, #tpu.memory_space<vmem>>, vector<16xf32>,
    %sub3A_209 = arith.subf %get3A_206, %get3A_208 : vector<16xf32>
    %add3A_210 = arith.addf %sub3A_209, %get3A_110 : vector<16xf32>
    %add3A_211 = arith.addf %add3A_210, %scan3A_141#7 : vector<16xf32>
    %swap3A_212 = arith.constant 112 : index
    %swap3A_213 = tpu.vector_load %arg18[%swap3A_212] {strides = array<i32>} : memref<512xf32, #tpu.memory_space<vmem>>, vector<16xf32>,
    tpu.vector_store %arg18[%swap3A_212], %add3A_211 {strides = array<i32>} : memref<512xf32, #tpu.memory_space<vmem>>, vector<16xf32>,
    %get3A_214 = arith.constant 128 : index
    %get3A_215 = tpu.vector_load %arg11[%get3A_214] {strides = array<i32>} : memref<512xf32, #tpu.memory_space<vmem>>, vector<16xf32>,
    %get3A_216 = arith.constant 128 : index
    %get3A_217 = tpu.vector_load %arg12[%get3A_216] {strides = array<i32>} : memref<512xf32, #tpu.memory_space<vmem>>, vector<16xf32>,
    %sub3A_218 = arith.subf %get3A_215, %get3A_217 : vector<16xf32>
    %add3A_219 = arith.addf %sub3A_218, %get3A_110 : vector<16xf32>
    %add3A_220 = arith.addf %add3A_219, %scan3A_141#8 : vector<16xf32>
    %swap3A_221 = arith.constant 128 : index
    %swap3A_222 = tpu.vector_load %arg18[%swap3A_221] {strides = array<i32>} : memref<512xf32, #tpu.memory_space<vmem>>, vector<16xf32>,
    tpu.vector_store %arg18[%swap3A_221], %add3A_220 {strides = array<i32>} : memref<512xf32, #tpu.memory_space<vmem>>, vector<16xf32>,
    %get3A_223 = arith.constant 144 : index
    %get3A_224 = tpu.vector_load %arg11[%get3A_223] {strides = array<i32>} : memref<512xf32, #tpu.memory_space<vmem>>, vector<16xf32>,
    %get3A_225 = arith.constant 144 : index
    %get3A_226 = tpu.vector_load %arg12[%get3A_225] {strides = array<i32>} : memref<512xf32, #tpu.memory_space<vmem>>, vector<16xf32>,
    %sub3A_227 = arith.subf %get3A_224, %get3A_226 : vector<16xf32>
    %add3A_228 = arith.addf %sub3A_227, %get3A_110 : vector<16xf32>
    %add3A_229 = arith.addf %add3A_228, %scan3A_141#9 : vector<16xf32>
    %swap3A_230 = arith.constant 144 : index
    %swap3A_231 = tpu.vector_load %arg18[%swap3A_230] {strides = array<i32>} : memref<512xf32, #tpu.memory_space<vmem>>, vector<16xf32>,
    tpu.vector_store %arg18[%swap3A_230], %add3A_229 {strides = array<i32>} : memref<512xf32, #tpu.memory_space<vmem>>, vector<16xf32>,
    %get3A_232 = arith.constant 160 : index
    %get3A_233 = tpu.vector_load %arg11[%get3A_232] {strides = array<i32>} : memref<512xf32, #tpu.memory_space<vmem>>, vector<16xf32>,
    %get3A_234 = arith.constant 160 : index
    %get3A_235 = tpu.vector_load %arg12[%get3A_234] {strides = array<i32>} : memref<512xf32, #tpu.memory_space<vmem>>, vector<16xf32>,
    %sub3A_236 = arith.subf %get3A_233, %get3A_235 : vector<16xf32>
    %add3A_237 = arith.addf %sub3A_236, %get3A_110 : vector<16xf32>
    %add3A_238 = arith.addf %add3A_237, %scan3A_141#10 : vector<16xf32>
    %swap3A_239 = arith.constant 160 : index
    %swap3A_240 = tpu.vector_load %arg18[%swap3A_239] {strides = array<i32>} : memref<512xf32, #tpu.memory_space<vmem>>, vector<16xf32>,
    tpu.vector_store %arg18[%swap3A_239], %add3A_238 {strides = array<i32>} : memref<512xf32, #tpu.memory_space<vmem>>, vector<16xf32>,
    %get3A_241 = arith.constant 176 : index
    %get3A_242 = tpu.vector_load %arg11[%get3A_241] {strides = array<i32>} : memref<512xf32, #tpu.memory_space<vmem>>, vector<16xf32>,
    %get3A_243 = arith.constant 176 : index
    %get3A_244 = tpu.vector_load %arg12[%get3A_243] {strides = array<i32>} : memref<512xf32, #tpu.memory_space<vmem>>, vector<16xf32>,
    %sub3A_245 = arith.subf %get3A_242, %get3A_244 : vector<16xf32>
    %add3A_246 = arith.addf %sub3A_245, %get3A_110 : vector<16xf32>
    %add3A_247 = arith.addf %add3A_246, %scan3A_141#11 : vector<16xf32>
    %swap3A_248 = arith.constant 176 : index
    %swap3A_249 = tpu.vector_load %arg18[%swap3A_248] {strides = array<i32>} : memref<512xf32, #tpu.memory_space<vmem>>, vector<16xf32>,
    tpu.vector_store %arg18[%swap3A_248], %add3A_247 {strides = array<i32>} : memref<512xf32, #tpu.memory_space<vmem>>, vector<16xf32>,
    %get3A_250 = arith.constant 192 : index
    %get3A_251 = tpu.vector_load %arg11[%get3A_250] {strides = array<i32>} : memref<512xf32, #tpu.memory_space<vmem>>, vector<16xf32>,
    %get3A_252 = arith.constant 192 : index
    %get3A_253 = tpu.vector_load %arg12[%get3A_252] {strides = array<i32>} : memref<512xf32, #tpu.memory_space<vmem>>, vector<16xf32>,
    %sub3A_254 = arith.subf %get3A_251, %get3A_253 : vector<16xf32>
    %add3A_255 = arith.addf %sub3A_254, %get3A_110 : vector<16xf32>
    %add3A_256 = arith.addf %add3A_255, %scan3A_141#12 : vector<16xf32>
    %swap3A_257 = arith.constant 192 : index
    %swap3A_258 = tpu.vector_load %arg18[%swap3A_257] {strides = array<i32>} : memref<512xf32, #tpu.memory_space<vmem>>, vector<16xf32>,
    tpu.vector_store %arg18[%swap3A_257], %add3A_256 {strides = array<i32>} : memref<512xf32, #tpu.memory_space<vmem>>, vector<16xf32>,
    %get3A_259 = arith.constant 208 : index
    %get3A_260 = tpu.vector_load %arg11[%get3A_259] {strides = array<i32>} : memref<512xf32, #tpu.memory_space<vmem>>, vector<16xf32>,
    %get3A_261 = arith.constant 208 : index
    %get3A_262 = tpu.vector_load %arg12[%get3A_261] {strides = array<i32>} : memref<512xf32, #tpu.memory_space<vmem>>, vector<16xf32>,
    %sub3A_263 = arith.subf %get3A_260, %get3A_262 : vector<16xf32>
    %add3A_264 = arith.addf %sub3A_263, %get3A_110 : vector<16xf32>
    %add3A_265 = arith.addf %add3A_264, %scan3A_141#13 : vector<16xf32>
    %swap3A_266 = arith.constant 208 : index
    %swap3A_267 = tpu.vector_load %arg18[%swap3A_266] {strides = array<i32>} : memref<512xf32, #tpu.memory_space<vmem>>, vector<16xf32>,
    tpu.vector_store %arg18[%swap3A_266], %add3A_265 {strides = array<i32>} : memref<512xf32, #tpu.memory_space<vmem>>, vector<16xf32>,
    %get3A_268 = arith.constant 224 : index
    %get3A_269 = tpu.vector_load %arg11[%get3A_268] {strides = array<i32>} : memref<512xf32, #tpu.memory_space<vmem>>, vector<16xf32>,
    %get3A_270 = arith.constant 224 : index
    %get3A_271 = tpu.vector_load %arg12[%get3A_270] {strides = array<i32>} : memref<512xf32, #tpu.memory_space<vmem>>, vector<16xf32>,
    %sub3A_272 = arith.subf %get3A_269, %get3A_271 : vector<16xf32>
    %add3A_273 = arith.addf %sub3A_272, %get3A_110 : vector<16xf32>
    %add3A_274 = arith.addf %add3A_273, %scan3A_141#14 : vector<16xf32>
    %swap3A_275 = arith.constant 224 : index
    %swap3A_276 = tpu.vector_load %arg18[%swap3A_275] {strides = array<i32>} : memref<512xf32, #tpu.memory_space<vmem>>, vector<16xf32>,
    tpu.vector_store %arg18[%swap3A_275], %add3A_274 {strides = array<i32>} : memref<512xf32, #tpu.memory_space<vmem>>, vector<16xf32>,
    %get3A_277 = arith.constant 240 : index
    %get3A_278 = tpu.vector_load %arg11[%get3A_277] {strides = array<i32>} : memref<512xf32, #tpu.memory_space<vmem>>, vector<16xf32>,
    %get3A_279 = arith.constant 240 : index
    %get3A_280 = tpu.vector_load %arg12[%get3A_279] {strides = array<i32>} : memref<512xf32, #tpu.memory_space<vmem>>, vector<16xf32>,
    %sub3A_281 = arith.subf %get3A_278, %get3A_280 : vector<16xf32>
    %add3A_282 = arith.addf %sub3A_281, %get3A_110 : vector<16xf32>
    %add3A_283 = arith.addf %add3A_282, %scan3A_141#15 : vector<16xf32>
    %swap3A_284 = arith.constant 240 : index
    %swap3A_285 = tpu.vector_load %arg18[%swap3A_284] {strides = array<i32>} : memref<512xf32, #tpu.memory_space<vmem>>, vector<16xf32>,
    tpu.vector_store %arg18[%swap3A_284], %add3A_283 {strides = array<i32>} : memref<512xf32, #tpu.memory_space<vmem>>, vector<16xf32>,
    %get3A_286 = arith.constant 256 : index
    %get3A_287 = tpu.vector_load %arg11[%get3A_286] {strides = array<i32>} : memref<512xf32, #tpu.memory_space<vmem>>, vector<16xf32>,
    %get3A_288 = arith.constant 256 : index
    %get3A_289 = tpu.vector_load %arg12[%get3A_288] {strides = array<i32>} : memref<512xf32, #tpu.memory_space<vmem>>, vector<16xf32>,
    %sub3A_290 = arith.subf %get3A_287, %get3A_289 : vector<16xf32>
    %add3A_291 = arith.addf %sub3A_290, %get3A_110 : vector<16xf32>
    %add3A_292 = arith.addf %add3A_291, %scan3A_141#16 : vector<16xf32>
    %swap3A_293 = arith.constant 256 : index
    %swap3A_294 = tpu.vector_load %arg18[%swap3A_293] {strides = array<i32>} : memref<512xf32, #tpu.memory_space<vmem>>, vector<16xf32>,
    tpu.vector_store %arg18[%swap3A_293], %add3A_292 {strides = array<i32>} : memref<512xf32, #tpu.memory_space<vmem>>, vector<16xf32>,
    %get3A_295 = arith.constant 272 : index
    %get3A_296 = tpu.vector_load %arg11[%get3A_295] {strides = array<i32>} : memref<512xf32, #tpu.memory_space<vmem>>, vector<16xf32>,
    %get3A_297 = arith.constant 272 : index
    %get3A_298 = tpu.vector_load %arg12[%get3A_297] {strides = array<i32>} : memref<512xf32, #tpu.memory_space<vmem>>, vector<16xf32>,
    %sub3A_299 = arith.subf %get3A_296, %get3A_298 : vector<16xf32>
    %add3A_300 = arith.addf %sub3A_299, %get3A_110 : vector<16xf32>
    %add3A_301 = arith.addf %add3A_300, %scan3A_141#17 : vector<16xf32>
    %swap3A_302 = arith.constant 272 : index
    %swap3A_303 = tpu.vector_load %arg18[%swap3A_302] {strides = array<i32>} : memref<512xf32, #tpu.memory_space<vmem>>, vector<16xf32>,
    tpu.vector_store %arg18[%swap3A_302], %add3A_301 {strides = array<i32>} : memref<512xf32, #tpu.memory_space<vmem>>, vector<16xf32>,
    %get3A_304 = arith.constant 288 : index
    %get3A_305 = tpu.vector_load %arg11[%get3A_304] {strides = array<i32>} : memref<512xf32, #tpu.memory_space<vmem>>, vector<16xf32>,
    %get3A_306 = arith.constant 288 : index
    %get3A_307 = tpu.vector_load %arg12[%get3A_306] {strides = array<i32>} : memref<512xf32, #tpu.memory_space<vmem>>, vector<16xf32>,
    %sub3A_308 = arith.subf %get3A_305, %get3A_307 : vector<16xf32>
    %add3A_309 = arith.addf %sub3A_308, %get3A_110 : vector<16xf32>
    %add3A_310 = arith.addf %add3A_309, %scan3A_141#18 : vector<16xf32>
    %swap3A_311 = arith.constant 288 : index
    %swap3A_312 = tpu.vector_load %arg18[%swap3A_311] {strides = array<i32>} : memref<512xf32, #tpu.memory_space<vmem>>, vector<16xf32>,
    tpu.vector_store %arg18[%swap3A_311], %add3A_310 {strides = array<i32>} : memref<512xf32, #tpu.memory_space<vmem>>, vector<16xf32>,
    %get3A_313 = arith.constant 304 : index
    %get3A_314 = tpu.vector_load %arg11[%get3A_313] {strides = array<i32>} : memref<512xf32, #tpu.memory_space<vmem>>, vector<16xf32>,
    %get3A_315 = arith.constant 304 : index
    %get3A_316 = tpu.vector_load %arg12[%get3A_315] {strides = array<i32>} : memref<512xf32, #tpu.memory_space<vmem>>, vector<16xf32>,
    %sub3A_317 = arith.subf %get3A_314, %get3A_316 : vector<16xf32>
    %add3A_318 = arith.addf %sub3A_317, %get3A_110 : vector<16xf32>
    %add3A_319 = arith.addf %add3A_318, %scan3A_141#19 : vector<16xf32>
    %swap3A_320 = arith.constant 304 : index
    %swap3A_321 = tpu.vector_load %arg18[%swap3A_320] {strides = array<i32>} : memref<512xf32, #tpu.memory_space<vmem>>, vector<16xf32>,
    tpu.vector_store %arg18[%swap3A_320], %add3A_319 {strides = array<i32>} : memref<512xf32, #tpu.memory_space<vmem>>, vector<16xf32>,
    %get3A_322 = arith.constant 320 : index
    %get3A_323 = tpu.vector_load %arg11[%get3A_322] {strides = array<i32>} : memref<512xf32, #tpu.memory_space<vmem>>, vector<16xf32>,
    %get3A_324 = arith.constant 320 : index
    %get3A_325 = tpu.vector_load %arg12[%get3A_324] {strides = array<i32>} : memref<512xf32, #tpu.memory_space<vmem>>, vector<16xf32>,
    %sub3A_326 = arith.subf %get3A_323, %get3A_325 : vector<16xf32>
    %add3A_327 = arith.addf %sub3A_326, %get3A_110 : vector<16xf32>
    %add3A_328 = arith.addf %add3A_327, %scan3A_141#20 : vector<16xf32>
    %swap3A_329 = arith.constant 320 : index
    %swap3A_330 = tpu.vector_load %arg18[%swap3A_329] {strides = array<i32>} : memref<512xf32, #tpu.memory_space<vmem>>, vector<16xf32>,
    tpu.vector_store %arg18[%swap3A_329], %add3A_328 {strides = array<i32>} : memref<512xf32, #tpu.memory_space<vmem>>, vector<16xf32>,
    %get3A_331 = arith.constant 336 : index
    %get3A_332 = tpu.vector_load %arg11[%get3A_331] {strides = array<i32>} : memref<512xf32, #tpu.memory_space<vmem>>, vector<16xf32>,
    %get3A_333 = arith.constant 336 : index
    %get3A_334 = tpu.vector_load %arg12[%get3A_333] {strides = array<i32>} : memref<512xf32, #tpu.memory_space<vmem>>, vector<16xf32>,
    %sub3A_335 = arith.subf %get3A_332, %get3A_334 : vector<16xf32>
    %add3A_336 = arith.addf %sub3A_335, %get3A_110 : vector<16xf32>
    %add3A_337 = arith.addf %add3A_336, %scan3A_141#21 : vector<16xf32>
    %swap3A_338 = arith.constant 336 : index
    %swap3A_339 = tpu.vector_load %arg18[%swap3A_338] {strides = array<i32>} : memref<512xf32, #tpu.memory_space<vmem>>, vector<16xf32>,
    tpu.vector_store %arg18[%swap3A_338], %add3A_337 {strides = array<i32>} : memref<512xf32, #tpu.memory_space<vmem>>, vector<16xf32>,
    %get3A_340 = arith.constant 352 : index
    %get3A_341 = tpu.vector_load %arg11[%get3A_340] {strides = array<i32>} : memref<512xf32, #tpu.memory_space<vmem>>, vector<16xf32>,
    %get3A_342 = arith.constant 352 : index
    %get3A_343 = tpu.vector_load %arg12[%get3A_342] {strides = array<i32>} : memref<512xf32, #tpu.memory_space<vmem>>, vector<16xf32>,
    %sub3A_344 = arith.subf %get3A_341, %get3A_343 : vector<16xf32>
    %add3A_345 = arith.addf %sub3A_344, %get3A_110 : vector<16xf32>
    %add3A_346 = arith.addf %add3A_345, %scan3A_141#22 : vector<16xf32>
    %swap3A_347 = arith.constant 352 : index
    %swap3A_348 = tpu.vector_load %arg18[%swap3A_347] {strides = array<i32>} : memref<512xf32, #tpu.memory_space<vmem>>, vector<16xf32>,
    tpu.vector_store %arg18[%swap3A_347], %add3A_346 {strides = array<i32>} : memref<512xf32, #tpu.memory_space<vmem>>, vector<16xf32>,
    %get3A_349 = arith.constant 368 : index
    %get3A_350 = tpu.vector_load %arg11[%get3A_349] {strides = array<i32>} : memref<512xf32, #tpu.memory_space<vmem>>, vector<16xf32>,
    %get3A_351 = arith.constant 368 : index
    %get3A_352 = tpu.vector_load %arg12[%get3A_351] {strides = array<i32>} : memref<512xf32, #tpu.memory_space<vmem>>, vector<16xf32>,
    %sub3A_353 = arith.subf %get3A_350, %get3A_352 : vector<16xf32>
    %add3A_354 = arith.addf %sub3A_353, %get3A_110 : vector<16xf32>
    %add3A_355 = arith.addf %add3A_354, %scan3A_141#23 : vector<16xf32>
    %swap3A_356 = arith.constant 368 : index
    %swap3A_357 = tpu.vector_load %arg18[%swap3A_356] {strides = array<i32>} : memref<512xf32, #tpu.memory_space<vmem>>, vector<16xf32>,
    tpu.vector_store %arg18[%swap3A_356], %add3A_355 {strides = array<i32>} : memref<512xf32, #tpu.memory_space<vmem>>, vector<16xf32>,
    %get3A_358 = arith.constant 384 : index
    %get3A_359 = tpu.vector_load %arg11[%get3A_358] {strides = array<i32>} : memref<512xf32, #tpu.memory_space<vmem>>, vector<16xf32>,
    %get3A_360 = arith.constant 384 : index
    %get3A_361 = tpu.vector_load %arg12[%get3A_360] {strides = array<i32>} : memref<512xf32, #tpu.memory_space<vmem>>, vector<16xf32>,
    %sub3A_362 = arith.subf %get3A_359, %get3A_361 : vector<16xf32>
    %add3A_363 = arith.addf %sub3A_362, %get3A_110 : vector<16xf32>
    %add3A_364 = arith.addf %add3A_363, %scan3A_141#24 : vector<16xf32>
    %swap3A_365 = arith.constant 384 : index
    %swap3A_366 = tpu.vector_load %arg18[%swap3A_365] {strides = array<i32>} : memref<512xf32, #tpu.memory_space<vmem>>, vector<16xf32>,
    tpu.vector_store %arg18[%swap3A_365], %add3A_364 {strides = array<i32>} : memref<512xf32, #tpu.memory_space<vmem>>, vector<16xf32>,
    %get3A_367 = arith.constant 400 : index
    %get3A_368 = tpu.vector_load %arg11[%get3A_367] {strides = array<i32>} : memref<512xf32, #tpu.memory_space<vmem>>, vector<16xf32>,
    %get3A_369 = arith.constant 400 : index
    %get3A_370 = tpu.vector_load %arg12[%get3A_369] {strides = array<i32>} : memref<512xf32, #tpu.memory_space<vmem>>, vector<16xf32>,
    %sub3A_371 = arith.subf %get3A_368, %get3A_370 : vector<16xf32>
    %add3A_372 = arith.addf %sub3A_371, %get3A_110 : vector<16xf32>
    %add3A_373 = arith.addf %add3A_372, %scan3A_141#25 : vector<16xf32>
    %swap3A_374 = arith.constant 400 : index
    %swap3A_375 = tpu.vector_load %arg18[%swap3A_374] {strides = array<i32>} : memref<512xf32, #tpu.memory_space<vmem>>, vector<16xf32>,
    tpu.vector_store %arg18[%swap3A_374], %add3A_373 {strides = array<i32>} : memref<512xf32, #tpu.memory_space<vmem>>, vector<16xf32>,
    %get3A_376 = arith.constant 416 : index
    %get3A_377 = tpu.vector_load %arg11[%get3A_376] {strides = array<i32>} : memref<512xf32, #tpu.memory_space<vmem>>, vector<16xf32>,
    %get3A_378 = arith.constant 416 : index
    %get3A_379 = tpu.vector_load %arg12[%get3A_378] {strides = array<i32>} : memref<512xf32, #tpu.memory_space<vmem>>, vector<16xf32>,
    %sub3A_380 = arith.subf %get3A_377, %get3A_379 : vector<16xf32>
    %add3A_381 = arith.addf %sub3A_380, %get3A_110 : vector<16xf32>
    %add3A_382 = arith.addf %add3A_381, %scan3A_141#26 : vector<16xf32>
    %swap3A_383 = arith.constant 416 : index
    %swap3A_384 = tpu.vector_load %arg18[%swap3A_383] {strides = array<i32>} : memref<512xf32, #tpu.memory_space<vmem>>, vector<16xf32>,
    tpu.vector_store %arg18[%swap3A_383], %add3A_382 {strides = array<i32>} : memref<512xf32, #tpu.memory_space<vmem>>, vector<16xf32>,
    %get3A_385 = arith.constant 432 : index
    %get3A_386 = tpu.vector_load %arg11[%get3A_385] {strides = array<i32>} : memref<512xf32, #tpu.memory_space<vmem>>, vector<16xf32>,
    %get3A_387 = arith.constant 432 : index
    %get3A_388 = tpu.vector_load %arg12[%get3A_387] {strides = array<i32>} : memref<512xf32, #tpu.memory_space<vmem>>, vector<16xf32>,
    %sub3A_389 = arith.subf %get3A_386, %get3A_388 : vector<16xf32>
    %add3A_390 = arith.addf %sub3A_389, %get3A_110 : vector<16xf32>
    %add3A_391 = arith.addf %add3A_390, %scan3A_141#27 : vector<16xf32>
    %swap3A_392 = arith.constant 432 : index
    %swap3A_393 = tpu.vector_load %arg18[%swap3A_392] {strides = array<i32>} : memref<512xf32, #tpu.memory_space<vmem>>, vector<16xf32>,
    tpu.vector_store %arg18[%swap3A_392], %add3A_391 {strides = array<i32>} : memref<512xf32, #tpu.memory_space<vmem>>, vector<16xf32>,
    %get3A_394 = arith.constant 448 : index
    %get3A_395 = tpu.vector_load %arg11[%get3A_394] {strides = array<i32>} : memref<512xf32, #tpu.memory_space<vmem>>, vector<16xf32>,
    %get3A_396 = arith.constant 448 : index
    %get3A_397 = tpu.vector_load %arg12[%get3A_396] {strides = array<i32>} : memref<512xf32, #tpu.memory_space<vmem>>, vector<16xf32>,
    %sub3A_398 = arith.subf %get3A_395, %get3A_397 : vector<16xf32>
    %add3A_399 = arith.addf %sub3A_398, %get3A_110 : vector<16xf32>
    %add3A_400 = arith.addf %add3A_399, %scan3A_141#28 : vector<16xf32>
    %swap3A_401 = arith.constant 448 : index
    %swap3A_402 = tpu.vector_load %arg18[%swap3A_401] {strides = array<i32>} : memref<512xf32, #tpu.memory_space<vmem>>, vector<16xf32>,
    tpu.vector_store %arg18[%swap3A_401], %add3A_400 {strides = array<i32>} : memref<512xf32, #tpu.memory_space<vmem>>, vector<16xf32>,
    %get3A_403 = arith.constant 464 : index
    %get3A_404 = tpu.vector_load %arg11[%get3A_403] {strides = array<i32>} : memref<512xf32, #tpu.memory_space<vmem>>, vector<16xf32>,
    %get3A_405 = arith.constant 464 : index
    %get3A_406 = tpu.vector_load %arg12[%get3A_405] {strides = array<i32>} : memref<512xf32, #tpu.memory_space<vmem>>, vector<16xf32>,
    %sub3A_407 = arith.subf %get3A_404, %get3A_406 : vector<16xf32>
    %add3A_408 = arith.addf %sub3A_407, %get3A_110 : vector<16xf32>
    %add3A_409 = arith.addf %add3A_408, %scan3A_141#29 : vector<16xf32>
    %swap3A_410 = arith.constant 464 : index
    %swap3A_411 = tpu.vector_load %arg18[%swap3A_410] {strides = array<i32>} : memref<512xf32, #tpu.memory_space<vmem>>, vector<16xf32>,
    tpu.vector_store %arg18[%swap3A_410], %add3A_409 {strides = array<i32>} : memref<512xf32, #tpu.memory_space<vmem>>, vector<16xf32>,
    %get3A_412 = arith.constant 480 : index
    %get3A_413 = tpu.vector_load %arg11[%get3A_412] {strides = array<i32>} : memref<512xf32, #tpu.memory_space<vmem>>, vector<16xf32>,
    %get3A_414 = arith.constant 480 : index
    %get3A_415 = tpu.vector_load %arg12[%get3A_414] {strides = array<i32>} : memref<512xf32, #tpu.memory_space<vmem>>, vector<16xf32>,
    %sub3A_416 = arith.subf %get3A_413, %get3A_415 : vector<16xf32>
    %add3A_417 = arith.addf %sub3A_416, %get3A_110 : vector<16xf32>
    %add3A_418 = arith.addf %add3A_417, %scan3A_141#30 : vector<16xf32>
    %swap3A_419 = arith.constant 480 : index
    %swap3A_420 = tpu.vector_load %arg18[%swap3A_419] {strides = array<i32>} : memref<512xf32, #tpu.memory_space<vmem>>, vector<16xf32>,
    tpu.vector_store %arg18[%swap3A_419], %add3A_418 {strides = array<i32>} : memref<512xf32, #tpu.memory_space<vmem>>, vector<16xf32>,
    %get3A_421 = arith.constant 496 : index
    %get3A_422 = tpu.vector_load %arg11[%get3A_421] {strides = array<i32>} : memref<512xf32, #tpu.memory_space<vmem>>, vector<16xf32>,
    %get3A_423 = arith.constant 496 : index
    %get3A_424 = tpu.vector_load %arg12[%get3A_423] {strides = array<i32>} : memref<512xf32, #tpu.memory_space<vmem>>, vector<16xf32>,
    %sub3A_425 = arith.subf %get3A_422, %get3A_424 : vector<16xf32>
    %add3A_426 = arith.addf %sub3A_425, %get3A_110 : vector<16xf32>
    %add3A_427 = arith.addf %add3A_426, %scan3A_141#31 : vector<16xf32>
    %swap3A_428 = arith.constant 496 : index
    %swap3A_429 = tpu.vector_load %arg18[%swap3A_428] {strides = array<i32>} : memref<512xf32, #tpu.memory_space<vmem>>, vector<16xf32>,
    tpu.vector_store %arg18[%swap3A_428], %add3A_427 {strides = array<i32>} : memref<512xf32, #tpu.memory_space<vmem>>, vector<16xf32>,
    "tpu.region"() ({
      %run_scoped3A = tpu.sem_alloc : memref<!tpu.dma_semaphore, #tpu.memory_space<semaphore_mem>>
      %dma_start3A_430 = tpu.memref_slice %arg8[%mul3A_2] : memref<16384xf32, #tpu.memory_space<hbm>> -> memref<512xf32, #tpu.memory_space<hbm>>
      %dma_start3A_431 = tpu.memref_slice %arg8[%mul3A_2] : memref<16384xf32, #tpu.memory_space<hbm>> -> memref<512xf32, #tpu.memory_space<hbm>>
      tpu.enqueue_dma source(%arg18 : memref<512xf32, #tpu.memory_space<vmem>>) target(%dma_start3A_431 : memref<512xf32, #tpu.memory_space<hbm>>) target_semaphore(%run_scoped3A : memref<!tpu.dma_semaphore, #tpu.memory_space<semaphore_mem>>)
      %dma_wait3A_432 = tpu.memref_slice %arg8[%mul3A_2] : memref<16384xf32, #tpu.memory_space<hbm>> -> memref<512xf32, #tpu.memory_space<hbm>>
      %dma_wait3A_433 = tpu.memref_slice %arg8[%mul3A_2] : memref<16384xf32, #tpu.memory_space<hbm>> -> memref<512xf32, #tpu.memory_space<hbm>>
      tpu.wait_dma2 semaphore(%run_scoped3A : memref<!tpu.dma_semaphore, #tpu.memory_space<semaphore_mem>>) src(%arg18 : memref<512xf32, #tpu.memory_space<vmem>>) dst(%dma_wait3A_433 : memref<512xf32, #tpu.memory_space<hbm>>)
      tpu.yield
    }) : () -> ()
    return
  }
}

</mosaic_0001>

<sc_bundles>
// kernel: kernel.3.cloned.1.call-start
scs
__scs_entry_jumppad:
0x0: {  	(pc) =	sbr.rel $0x88, $3  }
0x1: {  	(tag) =	ssettag $0x0;
	lr =	simm.s32 $0x1  }
0x2: {  	[smem:$0x3F9B] =	sst lr;
	_ =	strace $0xD0000000  }
0x3: {  	_ = 	snop  }
0x4: {  	_ = 	snop  }
0x5: {  	_ = 	snop  }
0x6: {  	_ = 	snop  }
0x7: {  	_ = 	snop  }
__scs_overlays_trampoline_lowered:
0x8: {  	[smem:$0x3FAA] =	sst s0  }
0x9: {  	[smem:$0x3FAB] =	sst s1  }
0xa: {  	[smem:$0x3FAC] =	sst s2  }
0xb: {  	[smem:$0x3FAD] =	sst s3  }
0xc: {  	[smem:$0x3FAE] =	sst s4  }
0xd: {  	[smem:$0x3FAF] =	sst s5  }
0xe: {  	[smem:$0x3FB0] =	sst s6  }
0xf: {  	[smem:$0x3FB1] =	sst s7  }
0x10: {  	[smem:$0x3FB2] =	sst s8  }
0x11: {  	[smem:$0x3FB3] =	sst s9;
	s0 =	simm.s32 @!p0 $0x0  }
0x12: {  	s1 =	sld [smem:$0x3F99];
	s0 =	simm.s32 @p0 $0x1  }
0x13: {  	[smem:$0x3FB4] =	sst s0;
	s0 =	simm.s32 @!p1 $0x0  }
0x14: {  	s2 =	sld [smem:$0x3F98];
	s0 =	simm.s32 @p1 $0x1  }
0x15: {  	[smem:$0x3FB5] =	sst s0;
	s0 =	simm.s32 @!p2 $0x0  }
0x16: {  	s3 =	sld [smem:$0x3FDB];
	s0 =	simm.s32 @p2 $0x1  }
0x17: {  	s4 =	simm.s32 $0x1BF5;
	[smem:$0x3FB7] =	sst s0  }
0x18: {  	s0 =	sld [smem:$0x3F9A];
	_ =	swait.ge [sflag:s4], $0x0  }
0x19: {  	s7 =	sld [smem:$0x3F9B]  }
0x1a: {  	s8 =	sadd.s32 $0xFFFFE003, lr  }
0x1b: {  	s9 =	sadd.s32 $0xFFFFFEF7, lr;
	s5 =	simm.s32 $0xFFFFFFFF;
	p2 =	slt.u32 s8, $0xFFFFF086  }
0x1c: {  	p1 =	slt.u32 s9, $0xF7A;
	s5 =	simm.s32 @!p2 $0x0  }
0x1d: {  	s5 =	simm.s32 @p1 $0x1;
	p0 =	seq.s32 s7, s2  }
0x1e: {  	s7 =	smul.u32 @!p0 $0xF7A, s2;
	p2 =	seq.s32 @!p0 s5, $0x0  }
0x1f: {  	s9 =	smul.u32 $0xF7A, s1;
	s8 =	simm.s32 @!p0 $0x1BF5;
	p2 =	por !p2, p0  }
0x20: {  	[sflag:s8] =	ssyncset.s32 @!p0 $0xFFFFF086;
	s6 =	sadd.s32 @!p0 s3, s7;
	s7 =	simm.s32 @!p0 $0x108  }
0x21: {  	s3 =	sadd.s32 s3, s9;
	s6 =	sadd.s32 @!p0 $0x88, s6;
	s7 =	simm.s32 @p2 $0x1082  }
0x22: {  	[simem:s7], [sflag:s8] =	dma.local @!p0 [hbm:s6], $0xF7A  }
0x23: {  	s9 =	sor.u32 $0xD0000000, s2;
	s6 =	simm.s32 $0x108;
	_ =	swait.ge @!p0 [sflag:s8], $0x0  }
0x24: {  	s3 =	sadd.s32 $0x88, s3;
	s6 =	simm.s32 @!p1 $0x1082;
	[sflag:s4] =	ssyncset.s32 $0xFFFFF086  }
0x25: {  	[simem:s6], [sflag:s4] =	dma.local [hbm:s3], $0xF7A  }
0x26: {  	[smem:$0x3F9B] =	sst s1;
	(tag) =	ssettag s2;
	_ =	strace s9  }
0x27: {  	s1 =	sld [smem:$0x3FAB]  }
0x28: {  	s2 =	sld [smem:$0x3FAC]  }
0x29: {  	s4 =	sld [smem:$0x3FAE]  }
0x2a: {  	p0 =	seq.s32 s5, $0x0;
	s5 =	sld [smem:$0x3FAF]  }
0x2b: {  	s6 =	sld [smem:$0x3FB0]  }
0x2c: {  	s7 =	sld [smem:$0x3FB1]  }
0x2d: {  	s3 =	simm.s32 $0x108;
	s8 =	sld [smem:$0x3FB2]  }
0x2e: {  	s3 =	simm.s32 @!p0 $0x1082;
	s9 =	sld [smem:$0x3FB3]  }
0x2f: {  	lr =	sadd.s32 s0, s3;
	s0 =	sld [smem:$0x3FAA]  }
0x30: {  	s3 =	sld [smem:$0x3FAD]  }
0x31: {  	[smem:$0x3FB6] =	sst s10  }
0x32: {  	s10 =	sld [smem:$0x3FB4];
	_ =	sdelay $0x3  }
0x33: {  	p0 =	seq.s32 s10, $0x1;
	s10 =	sld [smem:$0x3FB6];
	_ =	sdelay $0x3  }
0x34: {  	[smem:$0x3FB6] =	sst s10  }
0x35: {  	s10 =	sld [smem:$0x3FB5];
	_ =	sdelay $0x3  }
0x36: {  	p1 =	seq.s32 s10, $0x1;
	s10 =	sld [smem:$0x3FB6];
	_ =	sdelay $0x3  }
0x37: {  	[smem:$0x3FB6] =	sst s10  }
0x38: {  	s10 =	sld [smem:$0x3FB7]  }
0x39: {  	_ = 	snop;
	(pc) =	sbr.ind lr, $3  }
0x3a: {  	_ = 	snop  }
0x3b: {  	_ = 	snop  }
0x3c: {  	p2 =	seq.s32 s10, $0x1;
	s10 =	sld [smem:$0x3FB6]  }
0x3d: {  	_ =	shalt  }
0x3e: {  	_ =	shalt  }
0x3f: {  	_ =	shalt  }
0x40: {  	_ =	shalt  }
0x41: {  	_ =	shalt  }
0x42: {  	_ =	shalt  }
0x43: {  	_ =	shalt  }
0x44: {  	_ =	shalt  }
0x45: {  	_ =	shalt  }
0x46: {  	_ =	shalt  }
0x47: {  	_ =	shalt  }
0x48: {  	_ =	shalt  }
0x49: {  	_ =	shalt  }
0x4a: {  	_ =	shalt  }
0x4b: {  	_ =	shalt  }
0x4c: {  	_ =	shalt  }
0x4d: {  	_ =	shalt  }
0x4e: {  	_ =	shalt  }
0x4f: {  	_ =	shalt  }
0x50: {  	_ =	shalt  }
0x51: {  	_ =	shalt  }
0x52: {  	_ =	shalt  }
0x53: {  	_ =	shalt  }
0x54: {  	_ =	shalt  }
0x55: {  	_ =	shalt  }
0x56: {  	_ =	shalt  }
0x57: {  	_ =	shalt  }
0x58: {  	_ =	shalt  }
0x59: {  	_ =	shalt  }
0x5a: {  	_ =	shalt  }
0x5b: {  	_ =	shalt  }
0x5c: {  	_ =	shalt  }
0x5d: {  	_ =	shalt  }
0x5e: {  	_ =	shalt  }
0x5f: {  	_ =	shalt  }
0x60: {  	_ =	shalt  }
0x61: {  	_ =	shalt  }
0x62: {  	_ =	shalt  }
0x63: {  	_ =	shalt  }
0x64: {  	_ =	shalt  }
0x65: {  	_ =	shalt  }
0x66: {  	_ =	shalt  }
0x67: {  	_ =	shalt  }
0x68: {  	_ =	shalt  }
0x69: {  	_ =	shalt  }
0x6a: {  	_ =	shalt  }
0x6b: {  	_ =	shalt  }
0x6c: {  	_ =	shalt  }
0x6d: {  	_ =	shalt  }
0x6e: {  	_ =	shalt  }
0x6f: {  	_ =	shalt  }
0x70: {  	_ =	shalt  }
0x71: {  	_ =	shalt  }
0x72: {  	_ =	shalt  }
0x73: {  	_ =	shalt  }
0x74: {  	_ =	shalt  }
0x75: {  	_ =	shalt  }
0x76: {  	_ =	shalt  }
0x77: {  	_ =	shalt  }
0x78: {  	_ =	shalt  }
0x79: {  	_ =	shalt  }
0x7a: {  	_ =	shalt  }
0x7b: {  	_ =	shalt  }
0x7c: {  	_ =	shalt  }
0x7d: {  	_ =	shalt  }
0x7e: {  	_ =	shalt  }
0x7f: {  	_ =	shalt  }
0x80: {  	_ =	shalt  }
0x81: {  	_ =	shalt  }
0x82: {  	_ =	shalt  }
0x83: {  	_ =	shalt  }
0x84: {  	_ =	shalt  }
0x85: {  	_ =	shalt  }
0x86: {  	_ =	shalt  }
0x87: {  	_ =	shalt  }
.Lfunc_end0:
.L_simem_size_0:
called_computation_lowered:
.L_overlay_start_0:
0x88: {  	s2 =	sld [smem:$0x3FD9]  }
0x89: {  	s3 =	sld [smem:$0x3FFE];
	_ =	sdelay $0x1  }
0x8a: {  	s1 =	srdreg.scid  }
0x8b: {  	s0 =	sand.u32 $0x1, s1  }
0x8c: {  	s18 =	sshll.u32 s0, $0xA;
	s2 =	sadd.s32 s3, s2  }
0x8d: {  	s2 =	sadd.s32 s2, s18  }
0x8e: {  	[smem:$0x3FC2] =	sst s2  }
0x8f: {  	_ = 	snop  }
0x90: {  	s2 =	sld [smem:$0x3FC9]  }
0x91: {  	s19 =	sld [smem:$0x3FC8]  }
0x92: {  	s4 =	sld [smem:$0x3FC7]  }
0x93: {  	s5 =	sld [smem:$0x3FC6]  }
0x94: {  	s6 =	sld [smem:$0x3FC5]  }
0x95: {  	s7 =	sld [smem:$0x3FC4]  }
0x96: {  	s8 =	sld [smem:$0x3FD0];
	(tm) =	ssettm $0x1  }
0x97: {  	s9 =	sld [smem:$0x3FFB];
	_ =	sdelay $0x3  }
0x98: {  	_ =	strace s9  }
0x99: {  	s9 =	sld [smem:$0x3FFC];
	_ =	sdelay $0x3  }
0x9a: {  	_ =	strace s9  }
0x9b: {  	s9 =	sld [smem:$0x3FFD];
	_ =	sdelay $0x3  }
0x9c: {  	_ =	strace s9  }
0x9d: {  	_ =	strace $0x8FFFFFFF  }
0x9e: {  	s20 =	sld [smem:$0x3FDB];
	_ =	sdelay $0x1  }
0x9f: {  	s10 =	simm.s32 $_scs_section_size  }
0xa0: {  	s11 =	simm.s32 $_size__tile_overlayer_lowered;
	s12 =	simm.s32 $_tile_overlayer_lowered  }
0xa1: {  	s23 =	simm.s32 $0x1BFF;
	s22 =	sshll.u32 s12, $0x1;
	s9 =	sadd.s32 s10, s20  }
0xa2: {  	s13 =	simm.s32 $0x0;
	s21 =	sshll.u32 s11, $0x1;
	s11 =	sadd.s32 s22, s9  }
0xa3: {  	[timem:s13], [sflag:s23] =	dma.local [hbm:s11], s21  }
0xa4: {  	_ =	swait.ge [sflag:s23], s21  }
0xa5: {  	s10 =	ssub.s32 $0x0, s21;
	[sflag:s23] =	ssyncset.done $0x0  }
0xa6: {  	[sflag:s23] =	ssyncadd.s32 s10;
	_ =	sdelay $0x1  }
0xa7: {  	s24 =	simm.s32 $0x1B8B  }
0xa8: {  	_ =	swait.ge [sflag:s24], $0x1  }
0xa9: {  	[sflag:s24] =	ssyncset.done $0x0  }
0xaa: {  	s25 =	simm.s32 $0x1B8E;
	[sflag:s24] =	ssyncadd.s32 $0xFFFFFFFF  }
0xab: {  	s26 =	simm.s32 $execute0_lowered;
	[smem:$0x3FD2] =	sst s25  }
0xac: {  	s10 =	sshll.u32 s26, $0x1;
	_ =	strace $0x80000046;
	[dreg:$0x1] =	wrdreg $0xFFFFFFFF  }
0xad: {  	s28 =	simm.s32 $_size_execute0_lowered;
	s9 =	sadd.s32 s9, s10;
	[dreg:$0x0] =	wrdreg $0x0  }
0xae: {  	s10 =	sshll.u32 s28, $0x1;
	[dreg:$0x2] =	wrdreg s9  }
0xaf: {  	[dreg:$0x3] =	wrdreg s10  }
0xb0: {  	[dreg:$0x4] =	wrdreg $0xC0  }
0xb1: {  	_ =	task [dreg:s13], $0x5FFFF  }
0xb2: {  	[dreg:$0x1] =	wrdreg $0xFFFFFFFF  }
0xb3: {  	[dreg:$0x0] =	wrdreg $0x60  }
0xb4: {  	[dreg:$0x2] =	wrdreg s2  }
0xb5: {  	[dreg:$0x3] =	wrdreg s19  }
0xb6: {  	[dreg:$0x4] =	wrdreg s4  }
0xb7: {  	[dreg:$0x5] =	wrdreg s5  }
0xb8: {  	[dreg:$0x6] =	wrdreg s6  }
0xb9: {  	[dreg:$0x7] =	wrdreg s7  }
0xba: {  	[dreg:$0x8] =	wrdreg s8  }
0xbb: {  	[dreg:$0x9] =	wrdreg $0x9  }
0xbc: {  	_ =	task.clear_ibuf [dreg:s13], $0xAFFFF;
	_ =	strace $0x90000046  }
0xbd: {  	s29 =	simm.s32 $0x9;
	_ =	strace $0x80000048  }
0xbe: {  	_ =	swait.ge [sflag:s29], $0x1  }
0xbf: {  	[sflag:s29] =	ssyncadd.s32 $0xFFFFFFFF  }
0xc0: {  	_ =	strace $0x90000048  }
0xc1: {  	_ =	sfence  }
0xc2: {  	s30 =	sld [smem:$0x0];
	_ =	sdelay $0x2  }
0xc3: {  	s31 =	sshll.u32 s1, $0xD;
	s1 =	sshrl.u32 s1, $0x2  }
0xc4: {  	s3 =	sand.u32 $0x4000, s31;
	s1 =	sadd.s32 s1, s30  }
0xc5: {  	s0 =	sor.u32 s3, s0;
	s1 =	sshll.u32 s1, $0x11  }
0xc6: {  	s0 =	sor.u32 s1, s0  }
0xc7: {  	s0 =	sadd.s32 $0x8F2B, s0  }
0xc8: {  	[sflag:s0] =	ssyncadd.remote.s32 $0x1  }
0xc9: {  	_ =	sfence.sel $0xFFFF  }
0xca: {  	[dreg:$0x0] =	wrdreg $0xFFFFFFFF;
	(pc) =	sbr.abs _section_cstart, $3  }
0xcb: {  	[dreg:$0x1] =	wrdreg $0xFFFFFFFF  }
0xcc: {  	_ =	task.clear_ibuf [dreg:s13], $0x2FFFF;
	_ =	strace $0x9FFFFFFF  }
0xcd: {  	(tm) =	ssettm $0x7FFFFFFF  }
tec
execute0_lowered:
.L_overlay_start_1:
0x0: {  	(tag) =	ssettag $0x1  }
0x1: {  	s0 =	rddreg [dreg:$0x0]  }
0x2: {  	s3 =	rddreg [dreg:$0x1]  }
0x3: {  	s1 =	rddreg [dreg:$0x2]  }
0x4: {  	s2 =	rddreg [dreg:$0x3]  }
0x5: {  	s4 =	rddreg [dreg:$0x6]  }
0x6: {  	s5 =	srdreg.scid;
	s7 =	stileid.u32;
	s6 =	simm.s32 $0x0  }
0x7: {  	s12 =	simm.s32 $0x3;
	s13 =	simm.s32 $0x200;
	s14 =	simm.s32 $0x80  }
0x8: {  	s24 =	simm.s32 $0x180;
	s25 =	simm.s32 $0x580;
	s28 =	simm.s32 $0x780  }
0x9: {  	s29 =	simm.s32 $0x10;
	s30 =	simm.s32 $0xA880;
	s31 =	simm.s32 $0xA900  }
0xa: {  	s15 =	simm.s32 $0x0;
	s5 =	sand.u32 $0x1, s5;
	s7 =	sshll.u32 s7, $0xA  }
0xb: {  	[smem:$0x7FF] =	sst s6;
	s8 =	sshll.u32 s5, $0x9;
	s5 =	ssub.s32 $0x2, s5  }
0xc: {  	_ =	strace $0x80000047;
	s9 =	sor.u32 s8, s7;
	s26 =	sshrl.u32 s5, $0x1  }
0xd: {  	s10 =	sshrl.u32 s9, $0x3;
	s5 =	ssub.s32 s5, s26;
	s9 =	sshll.u32 s9, $0x3  }
0xe: {  	s26 =	simm.s32 $0x380;
	s7 =	sadd.s32 s0, s10;
	s8 =	sadd.s32 s3, s10  }
0xf: {  	s10 =	sadd.s32 s4, s10;
	s11 =	smax.u32 s5, $0x1;
	s0 =	simm.s32 $0x8800  }
0x10: {  	s4 =	simm.s32 $0x1;
	s3 =	simm.s32 $0x2;
	s5 =	simm.s32 $0xA980  }
.LBB2_1:
0x11: {  	[tilespmem:s6], [sflag:$0x3] =	stream.linear.gather [hbm4b:s7+s6], $0x200, $0x38;
	[tilespmem:$0xAB80] =	vst v63  }
0x12: {  	_ =	swait.ge [sflag:s12], $0x200  }
0x13: {  	[sflag:s12] =	ssyncset.done $0x0  }
0x14: {  	[sflag:s12] =	ssyncadd.s32 $0xFFFFFE00  }
0x15: {  	[tilespmem:s13], [sflag:$0x3] =	stream.linear.gather [hbm4b:s8+s6], $0x200, $0x38;
	[tilespmem:$0xAB80] =	vst v63  }
0x16: {  	_ =	swait.ge [sflag:s12], $0x200  }
0x17: {  	[sflag:s12] =	ssyncset.done $0x0  }
0x18: {  	v0 =	vimm.s32 $0x0;
	[sflag:s12] =	ssyncadd.s32 $0xFFFFFE00  }
0x19: {  	s16 =	simm.s32 $0x400;
	[tilespmem:$0xA880] =	vst v0  }
0x1a: {  	[tilespmem:s16], [sflag:$0x1] =	stream.indirect.gather [hbm4b:s2+s14], $0x1, s6, s14, $0xb8;
	[tilespmem:$0xAB80] =	vst v63  }
0x1b: {  	s21 =	simm.s32 $0x600  }
0x1c: {  	[tilespmem:s21], [sflag:$0x1] =	stream.indirect.gather [hbm4b:s2+s14], $0x1, s13, s14, $0xb8;
	[tilespmem:$0xAB80] =	vst v63  }
0x1d: {  	s22 =	simm.s32 $0x480  }
0x1e: {  	[tilespmem:s22], [sflag:$0x1] =	stream.indirect.gather [hbm4b:s2+s14], $0x1, s14, s14, $0xb8;
	[tilespmem:$0xAB80] =	vst v63  }
0x1f: {  	s23 =	simm.s32 $0x280;
	s17 =	simm.s32 $0x680  }
0x20: {  	[tilespmem:s17], [sflag:$0x1] =	stream.indirect.gather [hbm4b:s2+s14], $0x1, s23, s14, $0xb8;
	[tilespmem:$0xAB80] =	vst v63  }
0x21: {  	s18 =	simm.s32 $0x100;
	s19 =	simm.s32 $0x500  }
0x22: {  	[tilespmem:s19], [sflag:$0x1] =	stream.indirect.gather [hbm4b:s2+s14], $0x1, s18, s14, $0xb8;
	[tilespmem:$0xAB80] =	vst v63  }
0x23: {  	s20 =	simm.s32 $0x300;
	s21 =	simm.s32 $0x700  }
0x24: {  	[tilespmem:s21], [sflag:$0x1] =	stream.indirect.gather [hbm4b:s2+s14], $0x1, s20, s14, $0xb8;
	[tilespmem:$0xAB80] =	vst v63  }
0x25: {  	s22 =	rddreg [dreg:$0x5];
	s23 =	simm.s32 $0x0  }
0x26: {  	[tilespmem:s25], [sflag:$0x1] =	stream.indirect.gather [hbm4b:s2+s14], $0x1, s24, s14, $0xb8;
	[tilespmem:$0xAB80] =	vst v63  }
0x27: {  	s17 =	simm.s32 $0x0;
	s16 =	sand.u32 $0xFFFE0000, s23;
	s18 =	simm.s32 $0x0  }
0x28: {  	[tilespmem:s28], [sflag:$0x1] =	stream.indirect.gather [hbm4b:s2+s14], $0x1, s26, s14, $0xb8;
	[tilespmem:$0xAB80] =	vst v63  }
0x29: {  	s19 =	sand.u32 $0x380, s6;
	s20 =	sor.u32 s9, s16;
	s16 =	simm.s32 $0x1  }
0x2a: {  	[tilespmem:s31], [sflag:$0x1] =	stream.indirect.gather [hbm4b:s22+s29], $0x1, s30, s29, $0xb8;
	[tilespmem:$0xAB80] =	vst v63  }
.LBB2_2:
0x2b: {  	p0 =	sne.s32 s16, $0x3F;
	s18 =	sand.u32 $0x3FFFF000, s18;
	s20 =	sor.u32 s19, s20  }
0x2c: {  	s17 =	sadd.s32 $0x80, s17;
	s19 =	sor.u32 s19, s18;
	s18 =	sshrl.u32 s20, $0x3  }
0x2d: {  	s20 =	sor.u32 $0x800, s19;
	s21 =	sadd.s32 s1, s18;
	s18 =	sshll.u32 s16, $0x9  }
0x2e: {  	[tilespmem:s20], [sflag:$0x2] =	stream.linear.gather [hbm4b:s21+s6], $0x80, $0x38;
	[tilespmem:$0xAB80] =	vst v63  }
0x2f: {  	s22 =	sor.u32 $0xC00, s19;
	s23 =	sadd.s32 $0x1000, s19;
	s20 =	sadd.s32 $0x80, s21  }
0x30: {  	[tilespmem:s22], [sflag:$0x2] =	stream.linear.gather [hbm4b:s20+s6], $0x80, $0x38;
	[tilespmem:$0xAB80] =	vst v63  }
.Ltmp0:
0x31: {  	s20 =	sshll.u32 s16, $0xE;
	s22 =	sadd.s32 $0x100, s21;
	(pc) =	sbr.rel @p0 .LBB2_2-.Ltmp0, $4  }
0x32: {  	[tilespmem:s23], [sflag:$0x2] =	stream.linear.gather [hbm4b:s22+s6], $0x80, $0x38;
	[tilespmem:$0xAB80] =	vst v63  }
0x33: {  	s19 =	sadd.s32 $0x1400, s19;
	s21 =	sadd.s32 $0x180, s21;
	s20 =	sand.u32 $0xFFFE0000, s20  }
0x34: {  	[tilespmem:s19], [sflag:$0x2] =	stream.linear.gather [hbm4b:s21+s6], $0x80, $0x38;
	[tilespmem:$0xAB80] =	vst v63  }
0x35: {  	s16 =	sadd.s32 $0x1, s16;
	s20 =	sor.u32 s9, s20;
	s19 =	sand.u32 $0x380, s17  }
0x36: {  	s16 =	sand.u32 $0x3FFFF000, s18;
	s17 =	sor.u32 s19, s20  }
0x37: {  	s16 =	sor.u32 s19, s16;
	s17 =	sshrl.u32 s17, $0x3  }
0x38: {  	s22 =	sor.u32 $0x800, s16;
	s17 =	sadd.s32 s1, s17  }
0x39: {  	[tilespmem:s22], [sflag:$0x2] =	stream.linear.gather [hbm4b:s17+s6], $0x80, $0x38;
	[tilespmem:$0xAB80] =	vst v63  }
0x3a: {  	s19 =	sor.u32 $0xC00, s16;
	s23 =	sadd.s32 $0x80, s17  }
0x3b: {  	[tilespmem:s19], [sflag:$0x2] =	stream.linear.gather [hbm4b:s23+s6], $0x80, $0x38;
	[tilespmem:$0xAB80] =	vst v63  }
0x3c: {  	s20 =	sadd.s32 $0x1000, s16;
	s19 =	sadd.s32 $0x100, s17  }
0x3d: {  	[tilespmem:s20], [sflag:$0x2] =	stream.linear.gather [hbm4b:s19+s6], $0x80, $0x38;
	[tilespmem:$0xAB80] =	vst v63  }
0x3e: {  	s21 =	simm.s32 $0x0;
	s16 =	sadd.s32 $0x1400, s16;
	s17 =	sadd.s32 $0x180, s17  }
0x3f: {  	[tilespmem:s16], [sflag:$0x2] =	stream.linear.gather [hbm4b:s17+s6], $0x80, $0x38;
	[tilespmem:$0xAB80] =	vst v63  }
0x40: {  	v1 =	vmov s21;
	s22 =	rddreg [dreg:$0x4]  }
0x41: {  	[tilespmem:s0], [sflag:$0x3] =	stream.linear.gather [hbm4b:s22+s21], $0x80, $0x38;
	[tilespmem:$0xAB80] =	vst v63  }
0x42: {  	_ =	swait.ge [sflag:s12], $0x80  }
0x43: {  	[sflag:s12] =	ssyncset.done $0x0  }
0x44: {  	s23 =	simm.s32 $0x1;
	[sflag:s12] =	ssyncadd.s32 $0xFFFFFF80  }
0x45: {  	v2 =	vld.idx.msk [tilespmem:v1+s0+$0x0], $0xffff;
	v1 =	vmov s23;
	_ =	sdelay $0x3  }
0x46: {  	s16 =	simm.s32 $0x8880  }
0x47: {  	s17 =	simm.s32 $0x2;
	v1 =	vld.idx.msk [tilespmem:v1+s0+$0x0], $0xffff;
	[tilespmem:s16+$0x0] =	vst v2  }
.LBB2_4:
0x48: {  	v2 =	vmov s17;
	p0 =	sne.s32 s17, $0x3F;
	s17 =	sadd.s32 $0x1, s17  }
.Ltmp1:
0x49: {  	(pc) =	sbr.rel @p0 .LBB2_4-.Ltmp1, $3  }
0x4a: {  	_ =	sdelay $0x1  }
0x4b: {  	s16 =	sadd.s32 $0x80, s16  }
0x4c: {  	[tilespmem:s16+$0x0] =	vst v1;
	v1 =	vld.idx.msk [tilespmem:v2+s0+$0x0], $0xffff  }
0x4d: {  	_ =	sdelay $0x2  }
0x4e: {  	s16 =	sadd.s32 $0x80, s16  }
0x4f: {  	[tilespmem:s16+$0x0] =	vst v1  }
0x50: {  	_ =	swait.ge [sflag:s4], $0x80  }
0x51: {  	[sflag:s4] =	ssyncset.done $0x0  }
0x52: {  	[sflag:s4] =	ssyncadd.s32 $0xFFFFFF80  }
0x53: {  	_ =	swait.ge [sflag:s4], $0x80  }
0x54: {  	[sflag:s4] =	ssyncset.done $0x0  }
0x55: {  	[sflag:s4] =	ssyncadd.s32 $0xFFFFFF80  }
0x56: {  	_ =	swait.ge [sflag:s4], $0x80  }
0x57: {  	[sflag:s4] =	ssyncset.done $0x0  }
0x58: {  	[sflag:s4] =	ssyncadd.s32 $0xFFFFFF80  }
0x59: {  	_ =	swait.ge [sflag:s4], $0x80  }
0x5a: {  	[sflag:s4] =	ssyncset.done $0x0  }
0x5b: {  	[sflag:s4] =	ssyncadd.s32 $0xFFFFFF80  }
0x5c: {  	_ =	swait.ge [sflag:s4], $0x80  }
0x5d: {  	[sflag:s4] =	ssyncset.done $0x0  }
0x5e: {  	[sflag:s4] =	ssyncadd.s32 $0xFFFFFF80  }
0x5f: {  	_ =	swait.ge [sflag:s4], $0x80  }
0x60: {  	[sflag:s4] =	ssyncset.done $0x0  }
0x61: {  	[sflag:s4] =	ssyncadd.s32 $0xFFFFFF80  }
0x62: {  	_ =	swait.ge [sflag:s4], $0x80  }
0x63: {  	[sflag:s4] =	ssyncset.done $0x0  }
0x64: {  	[sflag:s4] =	ssyncadd.s32 $0xFFFFFF80  }
0x65: {  	_ =	swait.ge [sflag:s4], $0x80  }
0x66: {  	[sflag:s4] =	ssyncset.done $0x0  }
0x67: {  	[sflag:s4] =	ssyncadd.s32 $0xFFFFFF80  }
0x68: {  	_ =	swait.ge [sflag:s4], $0x10  }
0x69: {  	[sflag:s4] =	ssyncset.done $0x0  }
0x6a: {  	[sflag:s4] =	ssyncadd.s32 $0xFFFFFFF0  }
0x6b: {  	v1 =	vld [tilespmem:$0xA900];
	_ =	swait.ge [sflag:s3], $0x4000  }
0x6c: {  	s22 =	simm.s32 $0x0;
	s17 =	simm.s32 $0x0;
	[sflag:s3] =	ssyncset.done $0x0  }
0x6d: {  	s18 =	sand.u32 $0x3000, s22;
	s16 =	sand.u32 $0x380, s22;
	[sflag:s3] =	ssyncadd.s32 $0xFFFFC000  }
0x6e: {  	s18 =	sor.u32 s16, s18;
	v2 =	vld [tilespmem:s17+$0x8880]  }
0x6f: {  	v3 =	vld [tilespmem:s18+$0x1470]  }
0x70: {  	v4 =	vld [tilespmem:s18+$0x800]  }
0x71: {  	v5 =	vld [tilespmem:s18+$0x810]  }
0x72: {  	v6 =	vld [tilespmem:s18+$0x820]  }
0x73: {  	v7 =	vld [tilespmem:s18+$0x830]  }
0x74: {  	v8 =	vld [tilespmem:s18+$0x840]  }
0x75: {  	v9 =	vld [tilespmem:s18+$0x850]  }
0x76: {  	v10 =	vld [tilespmem:s18+$0x860]  }
0x77: {  	v11 =	vld [tilespmem:s18+$0x870]  }
0x78: {  	v12 =	vld [tilespmem:s18+$0xC00]  }
0x79: {  	v30 =	vld [tilespmem:s18+$0x1060]  }
0x7a: {  	v31 =	vld [tilespmem:s18+$0x1400]  }
0x7b: {  	v32 =	vld [tilespmem:s18+$0x1410]  }
0x7c: {  	v13 =	vld [tilespmem:s18+$0xC10]  }
0x7d: {  	v28 =	vimm.f32 $0.0e+00;
	v14 =	vld [tilespmem:s18+$0xC20];
	v3 =	vmul.f32 v3, v2  }
0x7e: {  	v33 =	vimm.f32 $0.0e+00;
	v15 =	vld [tilespmem:s18+$0xC30];
	v4 =	vmul.f32 v4, v2;
	v5 =	vmul.f32 v5, v2  }
0x7f: {  	v34 =	vimm.f32 $0.0e+00;
	v16 =	vld [tilespmem:s18+$0xC40];
	v30 =	vmul.f32 v30, v2;
	v40 =	vmul.f32 v31, v2  }
0x80: {  	v18 =	vld [tilespmem:s18+$0xC50];
	v41 =	vmul.f32 v32, v2;
	v23 =	vadd.f32 v3, v28;
	v3 =	vmul.f32 v6, v2  }
0x81: {  	v19 =	vld [tilespmem:s18+$0xC60];
	v31 =	vimm.f32 $0.0e+00;
	v26 =	vadd.f32 v4, v28;
	v4 =	vmul.f32 v7, v2  }
0x82: {  	v29 =	vld [tilespmem:s18+$0xC70];
	v6 =	vmul.f32 v8, v2;
	v24 =	vadd.f32 v3, v28;
	v3 =	vmul.f32 v9, v2  }
0x83: {  	v27 =	vadd.f32 v5, v28;
	v5 =	vld [tilespmem:s18+$0x1000];
	v20 =	vadd.f32 v4, v28;
	v4 =	vmul.f32 v10, v2  }
0x84: {  	v21 =	vadd.f32 v6, v28;
	v9 =	vld [tilespmem:s18+$0x1010];
	v17 =	vadd.f32 v3, v28;
	v3 =	vmul.f32 v11, v2  }
0x85: {  	v6 =	vmul.f32 v12, v2;
	v12 =	vld [tilespmem:s18+$0x1030];
	v25 =	vadd.f32 v4, v28;
	v4 =	vmul.f32 v13, v2  }
0x86: {  	v32 =	vimm.f32 $0.0e+00;
	v11 =	vld [tilespmem:s18+$0x1020];
	v22 =	vadd.f32 v3, v28;
	v3 =	vmul.f32 v15, v2  }
0x87: {  	v13 =	vadd.f32 v6, v28;
	v15 =	vld [tilespmem:s18+$0x1040];
	v6 =	vadd.f32 v4, v28;
	v4 =	vmul.f32 v16, v2  }
0x88: {  	v7 =	vmul.f32 v14, v2;
	v16 =	vld [tilespmem:s18+$0x1050];
	v8 =	vadd.f32 v3, v28;
	v3 =	vmul.f32 v18, v2  }
0x89: {  	v10 =	vmul.f32 v19, v2;
	v18 =	vadd.f32 v4, v28;
	v4 =	vmul.f32 v29, v2;
	v29 =	vld [tilespmem:s18+$0x1070]  }
0x8a: {  	v5 =	vmul.f32 v5, v2;
	v19 =	vadd.f32 v3, v28;
	v3 =	vmul.f32 v9, v2  }
0x8b: {  	v14 =	vadd.f32 v10, v28;
	v9 =	vadd.f32 v4, v28;
	v4 =	vmul.f32 v11, v2  }
0x8c: {  	v36 =	vld [tilespmem:s18+$0x1420];
	v10 =	vadd.f32 v5, v28;
	v5 =	vmul.f32 v15, v2;
	v11 =	vadd.f32 v3, v28  }
0x8d: {  	v37 =	vld [tilespmem:s18+$0x1430];
	v3 =	vmul.f32 v12, v2;
	v15 =	vadd.f32 v4, v28;
	v4 =	vmul.f32 v16, v2  }
0x8e: {  	v35 =	vld [tilespmem:s18+$0x1440];
	v7 =	vadd.f32 v7, v28;
	v12 =	vadd.f32 v5, v28;
	v5 =	vmul.f32 v29, v2  }
0x8f: {  	s23 =	simm.s32 $0x200;
	s19 =	simm.s32 $0x80;
	s16 =	simm.s32 $0x80;
	v38 =	vld [tilespmem:s18+$0x1450];
	v29 =	vimm.f32 $0.0e+00;
	v16 =	vadd.f32 v3, v28;
	v3 =	vadd.f32 v4, v28  }
0x90: {  	s20 =	sand.u32 $0x3000, s23;
	s21 =	sand.u32 $0x380, s16;
	s17 =	simm.s32 $0x400;
	v39 =	vld [tilespmem:s18+$0x1460];
	v4 =	vadd.f32 v30, v28;
	v30 =	vimm.f32 $0.0e+00;
	v5 =	vadd.f32 v5, v28  }
.LBB2_6:
0x91: {  	p0 =	sne.s32 s17, $0x3E00;
	v42 =	vld [tilespmem:s19+$0x8880];
	s18 =	sor.u32 s21, s20;
	v28 =	vadd.f32 v40, v28;
	v36 =	vmul.f32 v36, v2  }
0x92: {  	v40 =	vld [tilespmem:s18+$0x1470];
	v33 =	vadd.f32 v41, v33;
	v37 =	vmul.f32 v37, v2  }
0x93: {  	v41 =	vld [tilespmem:s18+$0x800];
	v34 =	vadd.f32 v36, v34;
	v35 =	vmul.f32 v35, v2  }
0x94: {  	v36 =	vld [tilespmem:s18+$0x810];
	v31 =	vadd.f32 v37, v31;
	v37 =	vmul.f32 v38, v2  }
0x95: {  	v38 =	vld [tilespmem:s18+$0x820];
	v32 =	vadd.f32 v35, v32;
	v35 =	vmul.f32 v39, v2  }
0x96: {  	v39 =	vld [tilespmem:s18+$0x830];
	v29 =	vadd.f32 v37, v29;
	v2 =	vmov v42  }
0x97: {  	v37 =	vld [tilespmem:s18+$0x840];
	v40 =	vmul.f32 v40, v2;
	v30 =	vadd.f32 v35, v30  }
0x98: {  	v35 =	vmul.f32 v41, v2;
	v41 =	vld [tilespmem:s18+$0x850]  }
0x99: {  	v36 =	vmul.f32 v36, v2;
	v42 =	vld [tilespmem:s18+$0x860];
	v23 =	vadd.f32 v40, v23  }
0x9a: {  	v26 =	vadd.f32 v35, v26;
	v35 =	vmul.f32 v38, v2;
	v38 =	vld [tilespmem:s18+$0x870]  }
0x9b: {  	v27 =	vadd.f32 v36, v27;
	v36 =	vmul.f32 v39, v2;
	v39 =	vld [tilespmem:s18+$0xC00]  }
0x9c: {  	v24 =	vadd.f32 v35, v24;
	v35 =	vmul.f32 v37, v2;
	v37 =	vld [tilespmem:s18+$0xC10]  }
0x9d: {  	v20 =	vadd.f32 v36, v20;
	v36 =	vmul.f32 v41, v2;
	v40 =	vld [tilespmem:s18+$0xC20]  }
0x9e: {  	v21 =	vadd.f32 v35, v21;
	v35 =	vmul.f32 v42, v2;
	v41 =	vld [tilespmem:s18+$0xC30]  }
0x9f: {  	v17 =	vadd.f32 v36, v17;
	v36 =	vmul.f32 v38, v2;
	v38 =	vld [tilespmem:s18+$0xC40]  }
0xa0: {  	v25 =	vadd.f32 v35, v25;
	v35 =	vmul.f32 v39, v2;
	v39 =	vld [tilespmem:s18+$0xC50]  }
0xa1: {  	v22 =	vadd.f32 v36, v22;
	v36 =	vmul.f32 v37, v2;
	v37 =	vld [tilespmem:s18+$0xC60]  }
0xa2: {  	v13 =	vadd.f32 v35, v13;
	v35 =	vmul.f32 v40, v2;
	v40 =	vld [tilespmem:s18+$0xC70]  }
0xa3: {  	v6 =	vadd.f32 v36, v6;
	v36 =	vmul.f32 v41, v2;
	v41 =	vld [tilespmem:s18+$0x1000]  }
0xa4: {  	v7 =	vadd.f32 v35, v7;
	v35 =	vmul.f32 v38, v2;
	v38 =	vld [tilespmem:s18+$0x1010]  }
0xa5: {  	v8 =	vadd.f32 v36, v8;
	v36 =	vmul.f32 v39, v2;
	v39 =	vld [tilespmem:s18+$0x1020]  }
0xa6: {  	v18 =	vadd.f32 v35, v18;
	v35 =	vmul.f32 v37, v2;
	v37 =	vld [tilespmem:s18+$0x1030]  }
0xa7: {  	v19 =	vadd.f32 v36, v19;
	v36 =	vmul.f32 v40, v2;
	v40 =	vld [tilespmem:s18+$0x1040]  }
0xa8: {  	v14 =	vadd.f32 v35, v14;
	v35 =	vmul.f32 v41, v2;
	v41 =	vld [tilespmem:s18+$0x1050]  }
0xa9: {  	v9 =	vadd.f32 v36, v9;
	v36 =	vmul.f32 v38, v2;
	v38 =	vld [tilespmem:s18+$0x1060]  }
0xaa: {  	v10 =	vadd.f32 v35, v10;
	v35 =	vmul.f32 v39, v2;
	v39 =	vld [tilespmem:s18+$0x1070]  }
0xab: {  	v11 =	vadd.f32 v36, v11;
	v36 =	vmul.f32 v37, v2;
	v42 =	vld [tilespmem:s18+$0x1400]  }
0xac: {  	v15 =	vadd.f32 v35, v15;
	v35 =	vmul.f32 v40, v2;
	v43 =	vld [tilespmem:s18+$0x1410]  }
.Ltmp2:
0xad: {  	v16 =	vadd.f32 v36, v16;
	v40 =	vmul.f32 v41, v2;
	v36 =	vld [tilespmem:s18+$0x1420];
	(pc) =	sbr.rel @p0 .LBB2_6-.Ltmp2, $4  }
0xae: {  	v12 =	vadd.f32 v35, v12;
	v38 =	vmul.f32 v38, v2;
	v37 =	vld [tilespmem:s18+$0x1430]  }
0xaf: {  	v3 =	vadd.f32 v40, v3;
	v39 =	vmul.f32 v39, v2;
	v35 =	vld [tilespmem:s18+$0x1440]  }
0xb0: {  	s19 =	sshra.s32 s17, $0x2;
	s16 =	sadd.s32 $0x80, s16;
	v4 =	vadd.f32 v38, v4;
	v40 =	vmul.f32 v42, v2;
	v38 =	vld [tilespmem:s18+$0x1450]  }
0xb1: {  	s20 =	sand.u32 $0x3000, s17;
	s17 =	sadd.s32 $0x200, s17;
	s21 =	sand.u32 $0x380, s16;
	v5 =	vadd.f32 v39, v5;
	v41 =	vmul.f32 v43, v2;
	v39 =	vld [tilespmem:s18+$0x1460]  }
0xb2: {  	v42 =	vld [tilespmem:s19+$0x8880];
	s16 =	sor.u32 s21, s20  }
0xb3: {  	v43 =	vld [tilespmem:s16+$0x1470]  }
0xb4: {  	v44 =	vld [tilespmem:s16+$0x800]  }
0xb5: {  	v45 =	vld [tilespmem:s16+$0x810]  }
0xb6: {  	v46 =	vld [tilespmem:s16+$0x820]  }
0xb7: {  	v47 =	vld [tilespmem:s16+$0x830]  }
0xb8: {  	v0 =	vld [tilespmem:s16+$0x1040]  }
0xb9: {  	v48 =	vld [tilespmem:s16+$0x840]  }
0xba: {  	v49 =	vld [tilespmem:s16+$0x850]  }
0xbb: {  	v50 =	vld [tilespmem:s16+$0x860]  }
0xbc: {  	v51 =	vld [tilespmem:s16+$0x870]  }
0xbd: {  	[tilespmem:$0x1FFB0] =	vst v0;
	v0 =	vld [tilespmem:s16+$0x1050]  }
0xbe: {  	v52 =	vld [tilespmem:s16+$0xC00]  }
0xbf: {  	v53 =	vld [tilespmem:s16+$0xC10]  }
0xc0: {  	v54 =	vld [tilespmem:s16+$0xC20]  }
0xc1: {  	v55 =	vld [tilespmem:s16+$0xC30]  }
0xc2: {  	[tilespmem:$0x1FFC0] =	vst v0;
	v0 =	vld [tilespmem:s16+$0x1060]  }
0xc3: {  	v56 =	vld [tilespmem:s16+$0xC40]  }
0xc4: {  	v57 =	vld [tilespmem:s16+$0xC50]  }
0xc5: {  	v36 =	vmul.f32 v36, v2;
	v58 =	vld [tilespmem:s16+$0xC60];
	v37 =	vmul.f32 v37, v2  }
0xc6: {  	v28 =	vadd.f32 v40, v28;
	v59 =	vld [tilespmem:s16+$0xC70];
	v33 =	vadd.f32 v41, v33;
	v35 =	vmul.f32 v35, v2  }
0xc7: {  	v31 =	vadd.f32 v37, v31;
	v37 =	vmul.f32 v38, v2;
	v2 =	vmul.f32 v39, v2;
	[tilespmem:$0x1FFD0] =	vst v0;
	v0 =	vld [tilespmem:s16+$0x1070]  }
0xc8: {  	v60 =	vld [tilespmem:s16+$0x1000];
	v32 =	vadd.f32 v35, v32;
	v35 =	vmul.f32 v43, v42;
	v44 =	vmul.f32 v44, v42  }
0xc9: {  	v61 =	vld [tilespmem:s16+$0x1010];
	v30 =	vadd.f32 v2, v30;
	v2 =	vmul.f32 v45, v42;
	v48 =	vmul.f32 v48, v42  }
0xca: {  	v62 =	vld [tilespmem:s16+$0x1020];
	v34 =	vadd.f32 v36, v34;
	v49 =	vmul.f32 v49, v42;
	v50 =	vmul.f32 v50, v42  }
0xcb: {  	v63 =	vld [tilespmem:s16+$0x1030];
	v29 =	vadd.f32 v37, v29;
	v52 =	vmul.f32 v52, v42;
	v53 =	vmul.f32 v53, v42  }
0xcc: {  	v54 =	vmul.f32 v54, v42;
	v23 =	vadd.f32 v35, v23;
	v26 =	vadd.f32 v44, v26;
	[tilespmem:$0x1FFE0] =	vst v0;
	v0 =	vld [tilespmem:s16+$0x1400]  }
0xcd: {  	v40 =	vld [tilespmem:s16+$0x1410];
	v56 =	vmul.f32 v56, v42;
	v27 =	vadd.f32 v2, v27;
	v21 =	vadd.f32 v48, v21  }
0xce: {  	v41 =	vld [tilespmem:s16+$0x1440];
	v17 =	vadd.f32 v49, v17;
	v43 =	vadd.f32 v53, v6;
	v6 =	vmul.f32 v57, v42  }
0xcf: {  	v36 =	vld [tilespmem:s16+$0x1420];
	v2 =	vmul.f32 v47, v42;
	v25 =	vadd.f32 v50, v25;
	v35 =	vadd.f32 v52, v13  }
0xd0: {  	v38 =	vld [tilespmem:s16+$0x1430];
	v13 =	vmul.f32 v55, v42;
	v49 =	vadd.f32 v6, v19;
	v6 =	vmul.f32 v59, v42  }
0xd1: {  	v39 =	vld [tilespmem:s16+$0x1460];
	v44 =	vadd.f32 v54, v7;
	v7 =	vmul.f32 v58, v42;
	v20 =	vadd.f32 v2, v20;
	[tilespmem:$0x1FFF0] =	vst v0  }
0xd2: {  	v37 =	vld [tilespmem:s16+$0x1450];
	v2 =	vmul.f32 v51, v42;
	v51 =	vadd.f32 v6, v9;
	v6 =	vmul.f32 v63, v42;
	_ =	swait.ge [sflag:s3], $0x4000  }
0xd3: {  	v45 =	vadd.f32 v56, v18;
	v50 =	vadd.f32 v7, v14;
	v7 =	vmul.f32 v61, v42;
	v0 =	vld [tilespmem:$0x1FFB0]  }
0xd4: {  	v48 =	vadd.f32 v13, v8;
	v8 =	vmul.f32 v60, v42;
	v56 =	vadd.f32 v6, v16;
	v6 =	vld [tilespmem:$0x1FFC0]  }
0xd5: {  	s21 =	simm.s32 $0x4000;
	v54 =	vadd.f32 v7, v11;
	v7 =	vld [tilespmem:$0x1FFD0]  }
0xd6: {  	s17 =	simm.s32 $0x1000;
	s18 =	simm.s32 $0x1000;
	v52 =	vadd.f32 v8, v10;
	[sflag:s3] =	ssyncset.done $0x0;
	v8 =	vld [tilespmem:$0x1FFE0]  }
0xd7: {  	s17 =	sand.u32 $0x380, s17;
	v46 =	vmul.f32 v46, v42;
	s16 =	sand.u32 $0x7000, s21;
	v9 =	vld [tilespmem:$0x1FFF0];
	[sflag:s3] =	ssyncadd.s32 $0xFFFFC000  }
0xd8: {  	v22 =	vadd.f32 v2, v22;
	s22 =	sor.u32 s17, s16;
	v2 =	vld [tilespmem:s18+$0x8880]  }
0xd9: {  	v24 =	vadd.f32 v46, v24;
	v46 =	vld [tilespmem:s22+$0x1470]  }
0xda: {  	v47 =	vld [tilespmem:s22+$0x800]  }
0xdb: {  	v13 =	vld [tilespmem:s22+$0x810]  }
0xdc: {  	v18 =	vld [tilespmem:s22+$0x820]  }
0xdd: {  	v14 =	vmul.f32 v62, v42;
	v19 =	vld [tilespmem:s22+$0x830]  }
0xde: {  	v61 =	vld [tilespmem:s22+$0x840]  }
0xdf: {  	v55 =	vadd.f32 v14, v15;
	v14 =	vld [tilespmem:s22+$0x850];
	v0 =	vmul.f32 v0, v42  }
0xe0: {  	v15 =	vld [tilespmem:s22+$0x860];
	v6 =	vmul.f32 v6, v42;
	v7 =	vmul.f32 v7, v42  }
0xe1: {  	v16 =	vld [tilespmem:s22+$0x870];
	v8 =	vmul.f32 v8, v42;
	v9 =	vmul.f32 v9, v42  }
0xe2: {  	v62 =	vld [tilespmem:s22+$0xC00];
	v57 =	vadd.f32 v6, v3;
	v58 =	vadd.f32 v7, v4;
	v4 =	vmul.f32 v40, v42  }
0xe3: {  	v63 =	vld [tilespmem:s22+$0xC20];
	v59 =	vadd.f32 v8, v5;
	v5 =	vmul.f32 v36, v42;
	v6 =	vmul.f32 v38, v42  }
0xe4: {  	v53 =	vld [tilespmem:s22+$0x1050];
	v0 =	vadd.f32 v0, v12;
	v7 =	vmul.f32 v41, v42;
	v8 =	vmul.f32 v37, v42  }
0xe5: {  	v60 =	vld [tilespmem:s22+$0x1060];
	v3 =	vadd.f32 v9, v28;
	v9 =	vmul.f32 v39, v42;
	v10 =	vmul.f32 v46, v2  }
0xe6: {  	v28 =	vld [tilespmem:s22+$0xC10];
	v11 =	vmul.f32 v47, v2;
	v4 =	vadd.f32 v4, v33;
	v5 =	vadd.f32 v5, v34  }
0xe7: {  	v41 =	vld [tilespmem:s22+$0xC30];
	v12 =	vmul.f32 v13, v2;
	v6 =	vadd.f32 v6, v31;
	v7 =	vadd.f32 v7, v32  }
0xe8: {  	v42 =	vld [tilespmem:s22+$0xC40];
	v13 =	vmul.f32 v18, v2;
	v8 =	vadd.f32 v8, v29;
	v9 =	vadd.f32 v9, v30  }
0xe9: {  	v18 =	vmul.f32 v19, v2;
	v47 =	vld [tilespmem:s22+$0x1040];
	v31 =	vadd.f32 v10, v23;
	v10 =	vadd.f32 v11, v26  }
0xea: {  	v19 =	vmul.f32 v61, v2;
	v29 =	vld [tilespmem:s22+$0xC50];
	v11 =	vadd.f32 v12, v27;
	v12 =	vadd.f32 v13, v24  }
0xeb: {  	v23 =	vld [tilespmem:s22+$0xC60];
	v24 =	vmul.f32 v14, v2;
	v13 =	vadd.f32 v18, v20;
	v18 =	vmul.f32 v15, v2  }
0xec: {  	v26 =	vld [tilespmem:s22+$0xC70];
	v14 =	vadd.f32 v19, v21;
	v19 =	vmul.f32 v62, v2;
	v21 =	vmul.f32 v63, v2  }
0xed: {  	v27 =	vld [tilespmem:s22+$0x1000];
	v32 =	vmul.f32 v53, v2;
	v34 =	vmul.f32 v60, v2;
	v15 =	vadd.f32 v24, v17  }
0xee: {  	v30 =	vld [tilespmem:s22+$0x1010];
	v17 =	vmul.f32 v16, v2;
	v16 =	vadd.f32 v18, v25;
	v20 =	vmul.f32 v28, v2  }
0xef: {  	v46 =	vld [tilespmem:s22+$0x1020];
	v18 =	vadd.f32 v19, v35;
	v24 =	vmul.f32 v42, v2;
	v33 =	vmul.f32 v47, v2  }
0xf0: {  	v28 =	vld [tilespmem:s22+$0x1030];
	v17 =	vadd.f32 v17, v22;
	v22 =	vmul.f32 v41, v2;
	v19 =	vadd.f32 v20, v43  }
0xf1: {  	v61 =	vld [tilespmem:s22+$0x1070];
	v20 =	vadd.f32 v21, v44;
	v25 =	vmul.f32 v29, v2;
	v29 =	vmul.f32 v23, v2  }
0xf2: {  	v62 =	vld [tilespmem:s22+$0x1400];
	v26 =	vmul.f32 v26, v2;
	v27 =	vmul.f32 v27, v2;
	v21 =	vadd.f32 v22, v48  }
0xf3: {  	v63 =	vld [tilespmem:s22+$0x1410];
	v22 =	vadd.f32 v24, v45;
	v24 =	vadd.f32 v29, v50;
	v29 =	vmul.f32 v30, v2  }
0xf4: {  	v36 =	vld [tilespmem:s22+$0x1420];
	v23 =	vadd.f32 v25, v49;
	v25 =	vadd.f32 v26, v51;
	v30 =	vmul.f32 v46, v2  }
0xf5: {  	v37 =	vld [tilespmem:s22+$0x1430];
	v26 =	vadd.f32 v27, v52;
	v27 =	vadd.f32 v29, v54;
	v29 =	vmul.f32 v28, v2  }
0xf6: {  	v38 =	vld [tilespmem:s22+$0x1440];
	v28 =	vadd.f32 v30, v55;
	v30 =	vadd.f32 v33, v0;
	v0 =	vmul.f32 v61, v2  }
0xf7: {  	s23 =	simm.s32 $0x4200;
	s19 =	simm.s32 $0x1080;
	s16 =	simm.s32 $0x1080;
	v39 =	vld [tilespmem:s22+$0x1450];
	v32 =	vadd.f32 v32, v57;
	v41 =	vmul.f32 v62, v2;
	v33 =	vadd.f32 v34, v58  }
0xf8: {  	s20 =	sand.u32 $0x7000, s23;
	s17 =	simm.s32 $0x4400;
	s21 =	sand.u32 $0x380, s16;
	v40 =	vld [tilespmem:s22+$0x1460];
	v42 =	vmul.f32 v63, v2;
	v29 =	vadd.f32 v29, v56;
	v34 =	vadd.f32 v0, v59  }
.LBB2_8:
0xf9: {  	p0 =	sne.s32 s17, $0x7E00;
	v0 =	vld [tilespmem:s19+$0x8880];
	s18 =	sor.u32 s21, s20;
	v3 =	vadd.f32 v41, v3;
	v35 =	vmul.f32 v36, v2  }
0xfa: {  	v36 =	vld [tilespmem:s18+$0x1470];
	v4 =	vadd.f32 v42, v4;
	v37 =	vmul.f32 v37, v2  }
0xfb: {  	v41 =	vld [tilespmem:s18+$0x800];
	v5 =	vadd.f32 v35, v5;
	v35 =	vmul.f32 v38, v2  }
0xfc: {  	v38 =	vld [tilespmem:s18+$0x810];
	v6 =	vadd.f32 v37, v6;
	v37 =	vmul.f32 v39, v2  }
0xfd: {  	v39 =	vld [tilespmem:s18+$0x820];
	v7 =	vadd.f32 v35, v7;
	v35 =	vmul.f32 v40, v2  }
0xfe: {  	v40 =	vld [tilespmem:s18+$0x830];
	v8 =	vadd.f32 v37, v8;
	v2 =	vmov v0  }
0xff: {  	v0 =	vld [tilespmem:s18+$0x840];
	v36 =	vmul.f32 v36, v2;
	v9 =	vadd.f32 v35, v9  }
0x100: {  	v35 =	vmul.f32 v41, v2;
	v37 =	vld [tilespmem:s18+$0x850]  }
0x101: {  	v38 =	vmul.f32 v38, v2;
	v41 =	vld [tilespmem:s18+$0x860];
	v31 =	vadd.f32 v36, v31  }
0x102: {  	v10 =	vadd.f32 v35, v10;
	v35 =	vmul.f32 v39, v2;
	v36 =	vld [tilespmem:s18+$0x870]  }
0x103: {  	v11 =	vadd.f32 v38, v11;
	v38 =	vmul.f32 v40, v2;
	v39 =	vld [tilespmem:s18+$0xC00]  }
0x104: {  	v12 =	vadd.f32 v35, v12;
	v0 =	vmul.f32 v0, v2;
	v35 =	vld [tilespmem:s18+$0xC10]  }
0x105: {  	v13 =	vadd.f32 v38, v13;
	v37 =	vmul.f32 v37, v2;
	v38 =	vld [tilespmem:s18+$0xC20]  }
0x106: {  	v14 =	vadd.f32 v0, v14;
	v0 =	vmul.f32 v41, v2;
	v40 =	vld [tilespmem:s18+$0xC30]  }
0x107: {  	v15 =	vadd.f32 v37, v15;
	v36 =	vmul.f32 v36, v2;
	v37 =	vld [tilespmem:s18+$0xC40]  }
0x108: {  	v16 =	vadd.f32 v0, v16;
	v0 =	vmul.f32 v39, v2;
	v39 =	vld [tilespmem:s18+$0xC50]  }
0x109: {  	v17 =	vadd.f32 v36, v17;
	v35 =	vmul.f32 v35, v2;
	v36 =	vld [tilespmem:s18+$0xC60]  }
0x10a: {  	v18 =	vadd.f32 v0, v18;
	v0 =	vmul.f32 v38, v2;
	v38 =	vld [tilespmem:s18+$0xC70]  }
0x10b: {  	v19 =	vadd.f32 v35, v19;
	v35 =	vmul.f32 v40, v2;
	v40 =	vld [tilespmem:s18+$0x1000]  }
0x10c: {  	v20 =	vadd.f32 v0, v20;
	v0 =	vmul.f32 v37, v2;
	v37 =	vld [tilespmem:s18+$0x1010]  }
0x10d: {  	v21 =	vadd.f32 v35, v21;
	v35 =	vmul.f32 v39, v2;
	v39 =	vld [tilespmem:s18+$0x1020]  }
0x10e: {  	v22 =	vadd.f32 v0, v22;
	v0 =	vmul.f32 v36, v2;
	v36 =	vld [tilespmem:s18+$0x1030]  }
0x10f: {  	v23 =	vadd.f32 v35, v23;
	v35 =	vmul.f32 v38, v2;
	v38 =	vld [tilespmem:s18+$0x1040]  }
0x110: {  	v24 =	vadd.f32 v0, v24;
	v0 =	vmul.f32 v40, v2;
	v40 =	vld [tilespmem:s18+$0x1050]  }
0x111: {  	v25 =	vadd.f32 v35, v25;
	v35 =	vmul.f32 v37, v2;
	v37 =	vld [tilespmem:s18+$0x1060]  }
0x112: {  	v26 =	vadd.f32 v0, v26;
	v0 =	vmul.f32 v39, v2;
	v39 =	vld [tilespmem:s18+$0x1070]  }
0x113: {  	v27 =	vadd.f32 v35, v27;
	v35 =	vmul.f32 v36, v2;
	v41 =	vld [tilespmem:s18+$0x1400]  }
0x114: {  	v28 =	vadd.f32 v0, v28;
	v0 =	vmul.f32 v38, v2;
	v42 =	vld [tilespmem:s18+$0x1410]  }
.Ltmp3:
0x115: {  	v29 =	vadd.f32 v35, v29;
	v35 =	vmul.f32 v40, v2;
	v36 =	vld [tilespmem:s18+$0x1420];
	(pc) =	sbr.rel @p0 .LBB2_8-.Ltmp3, $4  }
0x116: {  	v30 =	vadd.f32 v0, v30;
	v0 =	vmul.f32 v37, v2;
	v37 =	vld [tilespmem:s18+$0x1430]  }
0x117: {  	v32 =	vadd.f32 v35, v32;
	v35 =	vmul.f32 v39, v2;
	v38 =	vld [tilespmem:s18+$0x1440]  }
0x118: {  	s19 =	sshra.s32 s17, $0x2;
	s16 =	sadd.s32 $0x80, s16;
	v33 =	vadd.f32 v0, v33;
	v41 =	vmul.f32 v41, v2;
	v39 =	vld [tilespmem:s18+$0x1450]  }
0x119: {  	s20 =	sand.u32 $0x7000, s17;
	s17 =	sadd.s32 $0x200, s17;
	s21 =	sand.u32 $0x380, s16;
	v34 =	vadd.f32 v35, v34;
	v42 =	vmul.f32 v42, v2;
	v40 =	vld [tilespmem:s18+$0x1460]  }
0x11a: {  	v35 =	vld [tilespmem:s19+$0x8880];
	s16 =	sor.u32 s21, s20  }
0x11b: {  	v0 =	vld [tilespmem:s16+$0x1470]  }
0x11c: {  	v43 =	vld [tilespmem:s16+$0x800]  }
0x11d: {  	v44 =	vld [tilespmem:s16+$0x810]  }
0x11e: {  	v45 =	vld [tilespmem:s16+$0x820]  }
0x11f: {  	v46 =	vld [tilespmem:s16+$0x830]  }
0x120: {  	v47 =	vld [tilespmem:s16+$0x840]  }
0x121: {  	v48 =	vld [tilespmem:s16+$0x850]  }
0x122: {  	v49 =	vld [tilespmem:s16+$0x860]  }
0x123: {  	v50 =	vld [tilespmem:s16+$0x870]  }
0x124: {  	v51 =	vld [tilespmem:s16+$0xC00]  }
0x125: {  	v52 =	vld [tilespmem:s16+$0xC10]  }
0x126: {  	v53 =	vld [tilespmem:s16+$0xC20]  }
0x127: {  	v54 =	vld [tilespmem:s16+$0xC30]  }
0x128: {  	v55 =	vld [tilespmem:s16+$0xC40]  }
0x129: {  	v56 =	vld [tilespmem:s16+$0xC50]  }
0x12a: {  	v57 =	vld [tilespmem:s16+$0xC60]  }
0x12b: {  	v58 =	vld [tilespmem:s16+$0xC70]  }
0x12c: {  	v59 =	vld [tilespmem:s16+$0x1000]  }
0x12d: {  	v60 =	vld [tilespmem:s16+$0x1010]  }
0x12e: {  	v61 =	vld [tilespmem:s16+$0x1020]  }
0x12f: {  	v62 =	vld [tilespmem:s16+$0x1030]  }
0x130: {  	v63 =	vld [tilespmem:s16+$0x1040]  }
0x131: {  	v3 =	vadd.f32 v41, v3;
	v36 =	vmul.f32 v36, v2;
	v41 =	vld [tilespmem:s16+$0x1450]  }
0x132: {  	v4 =	vadd.f32 v42, v4;
	v42 =	vld [tilespmem:s16+$0x1460]  }
0x133: {  	v37 =	vmul.f32 v37, v2;
	v5 =	vadd.f32 v36, v5;
	v36 =	vmul.f32 v39, v2;
	v39 =	vld [tilespmem:$0x400]  }
0x134: {  	v38 =	vmul.f32 v38, v2;
	v2 =	vmul.f32 v40, v2;
	v40 =	vld [tilespmem:$0x600]  }
0x135: {  	v37 =	vadd.f32 v37, v6;
	[tilespmem:$0x1FF20] =	vst v62;
	v62 =	vld [tilespmem:s16+$0x1050]  }
0x136: {  	v38 =	vadd.f32 v38, v7;
	v0 =	vmul.f32 v0, v35;
	v6 =	vmul.f32 v43, v35;
	v43 =	vld [tilespmem:$0x410]  }
0x137: {  	v36 =	vadd.f32 v36, v8;
	v2 =	vadd.f32 v2, v9;
	v8 =	vmul.f32 v45, v35;
	v45 =	vld [tilespmem:$0x420]  }
0x138: {  	v7 =	vmul.f32 v44, v35;
	v9 =	vmul.f32 v47, v35;
	v0 =	vadd.f32 v0, v31;
	v31 =	vld [tilespmem:$0x610]  }
0x139: {  	v44 =	vadd.f32 v6, v10;
	v47 =	vadd.f32 v8, v12;
	v12 =	vmul.f32 v48, v35;
	v48 =	vld [tilespmem:$0x620]  }
0x13a: {  	v6 =	vadd.f32 v9, v14;
	v14 =	vmul.f32 v49, v35;
	v49 =	vld [tilespmem:$0x430];
	[tilespmem:$0x1FFA0] =	vst v0;
	v0 =	vmul.f32 v46, v35  }
0x13b: {  	v46 =	vadd.f32 v7, v11;
	v7 =	vadd.f32 v12, v15;
	v15 =	vmul.f32 v50, v35;
	v50 =	vld [tilespmem:$0x630]  }
0x13c: {  	v12 =	vmul.f32 v51, v35;
	v51 =	vadd.f32 v14, v16;
	v16 =	vmul.f32 v59, v35;
	v59 =	vld [tilespmem:$0x660]  }
0x13d: {  	[tilespmem:$0x1FF30] =	vst v62;
	v62 =	vld [tilespmem:s16+$0x1060]  }
0x13e: {  	v0 =	vadd.f32 v0, v13;
	v13 =	vmul.f32 v52, v35;
	v52 =	vld [tilespmem:$0x440]  }
0x13f: {  	v14 =	vmul.f32 v53, v35;
	v53 =	vadd.f32 v15, v17;
	v15 =	vmul.f32 v54, v35;
	v54 =	vld [tilespmem:$0x640]  }
0x140: {  	v17 =	vadd.f32 v12, v18;
	v12 =	vmul.f32 v55, v35;
	v55 =	vld [tilespmem:$0x450]  }
0x141: {  	v26 =	vadd.f32 v16, v26;
	v16 =	vld [tilespmem:$0x1FF20]  }
0x142: {  	v43 =	vsub.f32 v43, v31;
	v31 =	vld [tilespmem:$0x4C0]  }
0x143: {  	[tilespmem:$0x1FF40] =	vst v62;
	v62 =	vld [tilespmem:s16+$0x1070]  }
0x144: {  	v48 =	vsub.f32 v45, v48;
	v45 =	vld [tilespmem:$0x6E0]  }
0x145: {  	v18 =	vadd.f32 v13, v19;
	v13 =	vmul.f32 v56, v35;
	v56 =	vld [tilespmem:$0x650]  }
0x146: {  	v19 =	vadd.f32 v14, v20;
	v20 =	vadd.f32 v15, v21;
	v15 =	vmul.f32 v58, v35;
	v58 =	vld [tilespmem:$0x460]  }
0x147: {  	v21 =	vmul.f32 v60, v35;
	v60 =	vld [tilespmem:$0x470]  }
0x148: {  	v14 =	vmul.f32 v57, v35;
	[tilespmem:$0x1FF50] =	vst v62;
	v62 =	vld [tilespmem:s16+$0x1400]  }
0x149: {  	v57 =	vadd.f32 v12, v22;
	v22 =	vmul.f32 v61, v35;
	v50 =	vsub.f32 v49, v50;
	v49 =	vld [tilespmem:$0x500]  }
0x14a: {  	v24 =	vadd.f32 v14, v24;
	v14 =	vadd.f32 v21, v27;
	v27 =	vld [tilespmem:$0x670]  }
0x14b: {  	v25 =	vadd.f32 v15, v25;
	v15 =	vadd.f32 v22, v28;
	v22 =	vld [tilespmem:$0x1FF30]  }
0x14c: {  	v21 =	vmul.f32 v63, v35;
	v63 =	vmul.f32 v42, v35;
	v42 =	vsub.f32 v39, v40;
	v40 =	vld [tilespmem:$0x4D0]  }
0x14d: {  	v9 =	vmul.f32 v16, v35;
	[tilespmem:$0x1FF60] =	vst v62;
	v62 =	vld [tilespmem:s16+$0x1410]  }
0x14e: {  	v28 =	vld [tilespmem:$0x1FF40]  }
0x14f: {  	v16 =	vadd.f32 v9, v29;
	v29 =	vld [tilespmem:$0x1FF50]  }
0x150: {  	v39 =	vadd.f32 v50, v1;
	v50 =	vld [tilespmem:$0x520]  }
0x151: {  	v54 =	vsub.f32 v52, v54;
	v52 =	vld [tilespmem:$0x530]  }
0x152: {  	[tilespmem:$0x1FF70] =	vst v62;
	v62 =	vld [tilespmem:s16+$0x1420]  }
0x153: {  	v11 =	vmul.f32 v28, v35;
	v28 =	vld [tilespmem:$0x480]  }
0x154: {  	v23 =	vadd.f32 v13, v23;
	v8 =	vmul.f32 v22, v35;
	v9 =	vmul.f32 v29, v35;
	v29 =	vld [tilespmem:$0x680]  }
0x155: {  	v13 =	vadd.f32 v21, v30;
	v56 =	vsub.f32 v55, v56;
	v30 =	vld [tilespmem:$0x1FF60]  }
0x156: {  	v12 =	vadd.f32 v8, v32;
	v32 =	vld [tilespmem:$0x1FF70]  }
0x157: {  	v0 =	vadd.f32 v39, v0;
	v39 =	vadd.f32 v56, v1;
	[tilespmem:$0x1FF80] =	vst v62;
	v62 =	vld [tilespmem:s16+$0x1430]  }
0x158: {  	v11 =	vadd.f32 v11, v33;
	v33 =	vld [tilespmem:$0x1FF80]  }
0x159: {  	v7 =	vadd.f32 v39, v7;
	v39 =	vld [tilespmem:$0x510]  }
0x15a: {  	v8 =	vmul.f32 v30, v35;
	v30 =	vld [tilespmem:$0x490]  }
0x15b: {  	v28 =	vsub.f32 v28, v29;
	v29 =	vld [tilespmem:$0x710]  }
0x15c: {  	[tilespmem:$0x1FF90] =	vst v62;
	v62 =	vld [tilespmem:s16+$0x1440]  }
0x15d: {  	v10 =	vadd.f32 v9, v34;
	v9 =	vmul.f32 v32, v35;
	v32 =	vld [tilespmem:$0x690];
	v21 =	vmul.f32 v33, v35  }
0x15e: {  	v34 =	vld [tilespmem:$0x1FF90]  }
0x15f: {  	v27 =	vsub.f32 v60, v27;
	v33 =	vld [tilespmem:$0x4B0];
	v21 =	vadd.f32 v21, v5  }
0x160: {  	v5 =	vadd.f32 v63, v2;
	v2 =	vadd.f32 v43, v1;
	v43 =	vld [tilespmem:$0x4E0]  }
0x161: {  	v27 =	vadd.f32 v27, v1;
	v61 =	vmul.f32 v62, v35;
	v62 =	vmul.f32 v41, v35;
	v41 =	vld [tilespmem:$0x6A0]  }
0x162: {  	v2 =	vadd.f32 v2, v46;
	v46 =	vld [tilespmem:$0x4F0]  }
0x163: {  	v27 =	vadd.f32 v27, v53;
	v8 =	vadd.f32 v8, v3;
	v3 =	vmul.f32 v34, v35;
	v34 =	vld [tilespmem:$0x4A0]  }
0x164: {  	v28 =	vadd.f32 v28, v1;
	v35 =	vadd.f32 v42, v1;
	v42 =	vld [tilespmem:$0x6D0]  }
0x165: {  	v9 =	vadd.f32 v9, v4;
	v4 =	vadd.f32 v62, v36;
	v36 =	vld [tilespmem:$0x6B0]  }
0x166: {  	v30 =	vsub.f32 v30, v32;
	v62 =	vld [tilespmem:$0x6F0];
	v22 =	vadd.f32 v3, v37  }
0x167: {  	v3 =	vadd.f32 v61, v38;
	v38 =	vld [tilespmem:$0x6C0];
	v35 =	vadd.f32 v35, v44  }
0x168: {  	v37 =	vadd.f32 v48, v1;
	v44 =	vadd.f32 v54, v1;
	v54 =	vld [tilespmem:$0x730]  }
0x169: {  	v61 =	vsub.f32 v58, v59;
	v59 =	vsub.f32 v43, v45;
	v48 =	vld [tilespmem:$0x580]  }
0x16a: {  	v17 =	vadd.f32 v28, v17;
	v37 =	vadd.f32 v37, v47;
	v47 =	vld [tilespmem:$0x700]  }
0x16b: {  	v30 =	vadd.f32 v30, v1;
	[tilespmem:$0xA980] =	vst v35;
	v35 =	vadd.f32 v59, v1;
	v59 =	vld [tilespmem:$0x7A0]  }
0x16c: {  	v63 =	vadd.f32 v61, v1;
	v58 =	vsub.f32 v40, v42;
	v40 =	vld [tilespmem:$0x750]  }
0x16d: {  	v18 =	vadd.f32 v30, v18;
	v6 =	vadd.f32 v44, v6;
	v42 =	vld [tilespmem:$0x560]  }
0x16e: {  	v34 =	vsub.f32 v34, v41;
	v41 =	vld [tilespmem:$0x7D0];
	v44 =	vadd.f32 v63, v51  }
0x16f: {  	v51 =	vld [tilespmem:$0x720];
	v33 =	vsub.f32 v33, v36;
	v61 =	vsub.f32 v46, v62  }
0x170: {  	v62 =	vld [tilespmem:$0x760];
	v43 =	vadd.f32 v35, v24;
	v53 =	vadd.f32 v34, v1  }
0x171: {  	v46 =	vld [tilespmem:$0x770];
	v56 =	vsub.f32 v31, v38;
	v60 =	vadd.f32 v58, v1  }
0x172: {  	[tilespmem:$0xA9B0] =	vst v0;
	v31 =	vld [tilespmem:$0x740];
	v55 =	vadd.f32 v33, v1;
	v63 =	vadd.f32 v61, v1  }
0x173: {  	[tilespmem:$0xA9D0] =	vst v7;
	v38 =	vld [tilespmem:$0x550];
	v19 =	vadd.f32 v53, v19;
	v28 =	vadd.f32 v56, v1  }
0x174: {  	[tilespmem:$0xA9F0] =	vst v27;
	v33 =	vld [tilespmem:$0x540];
	v0 =	vadd.f32 v60, v23;
	v45 =	vsub.f32 v49, v47  }
0x175: {  	[tilespmem:$0xA990] =	vst v2;
	v61 =	vld [tilespmem:$0x5B0];
	v47 =	vsub.f32 v39, v29;
	v20 =	vadd.f32 v55, v20  }
0x176: {  	[tilespmem:$0xAA60] =	vst v43;
	v43 =	vld [tilespmem:$0x5E0];
	v2 =	vadd.f32 v63, v25;
	v28 =	vadd.f32 v28, v57  }
0x177: {  	[tilespmem:$0xAA00] =	vst v17;
	v23 =	vld [tilespmem:$0x570];
	v24 =	vadd.f32 v45, v1;
	v49 =	vsub.f32 v50, v51  }
0x178: {  	[tilespmem:$0xAA10] =	vst v18;
	v39 =	vld [tilespmem:$0x5D0];
	v7 =	vadd.f32 v47, v1;
	v51 =	vsub.f32 v52, v54  }
0x179: {  	[tilespmem:$0xA9A0] =	vst v37;
	v55 =	vld [tilespmem:$0x790];
	v62 =	vsub.f32 v42, v62;
	v60 =	vsub.f32 v38, v40  }
0x17a: {  	[tilespmem:$0xA9C0] =	vst v6;
	v63 =	vld [tilespmem:$0x7B0];
	v53 =	vadd.f32 v24, v26;
	v54 =	vadd.f32 v49, v1  }
0x17b: {  	[tilespmem:$0xA9E0] =	vst v44;
	v50 =	vld [tilespmem:$0x780];
	v7 =	vadd.f32 v7, v14;
	v56 =	vadd.f32 v51, v1  }
0x17c: {  	v52 =	vld [tilespmem:$0x590];
	[tilespmem:$0xAA20] =	vst v19;
	v58 =	vsub.f32 v33, v31;
	v36 =	vadd.f32 v62, v1  }
0x17d: {  	v57 =	vld [tilespmem:$0x5A0];
	[tilespmem:$0xAA50] =	vst v0;
	v29 =	vadd.f32 v60, v1;
	v31 =	vsub.f32 v23, v46  }
0x17e: {  	v45 =	vld [tilespmem:$0x7E0];
	[tilespmem:$0xAA30] =	vst v20;
	v15 =	vadd.f32 v54, v15;
	v14 =	vadd.f32 v56, v16  }
0x17f: {  	[tilespmem:$0xAA70] =	vst v2;
	v19 =	vadd.f32 v58, v1;
	v11 =	vadd.f32 v36, v11  }
0x180: {  	[tilespmem:$0xAA40] =	vst v28;
	v46 =	vsub.f32 v61, v63;
	v0 =	vadd.f32 v29, v12  }
0x181: {  	v37 =	vld [tilespmem:$0x7C0];
	[tilespmem:$0xAA80] =	vst v53;
	v38 =	vadd.f32 v31, v1;
	v40 =	vsub.f32 v48, v50  }
0x182: {  	v33 =	vld [tilespmem:$0x5C0];
	[tilespmem:$0xAA90] =	vst v7;
	v42 =	vsub.f32 v52, v55;
	v44 =	vsub.f32 v57, v59  }
0x183: {  	v55 =	vsub.f32 v39, v41;
	v57 =	vsub.f32 v43, v45;
	[tilespmem:$0xAAA0] =	vst v15  }
0x184: {  	v47 =	vld [tilespmem:$0x5F0];
	v35 =	vadd.f32 v19, v13;
	[tilespmem:$0xAAB0] =	vst v14;
	v52 =	vadd.f32 v46, v1  }
0x185: {  	v50 =	vld [tilespmem:$0x7F0];
	[tilespmem:$0xAAE0] =	vst v11;
	v2 =	vadd.f32 v38, v10;
	v13 =	vadd.f32 v40, v1  }
0x186: {  	v7 =	vadd.f32 v42, v1;
	v49 =	vadd.f32 v44, v1;
	[tilespmem:$0xAAD0] =	vst v0  }
0x187: {  	v53 =	vsub.f32 v33, v37;
	[tilespmem:$0xAAC0] =	vst v35;
	v54 =	vadd.f32 v52, v22  }
0x188: {  	v58 =	vadd.f32 v55, v1;
	v48 =	vadd.f32 v13, v8;
	[tilespmem:$0xAAF0] =	vst v2  }
0x189: {  	v63 =	vld [tilespmem:$0x1FFA0];
	v60 =	vadd.f32 v57, v1;
	v51 =	vadd.f32 v7, v9;
	[tilespmem:$0xAB30] =	vst v54  }
0x18a: {  	v8 =	vadd.f32 v49, v21;
	v59 =	vsub.f32 v47, v50;
	[tilespmem:$0xAB00] =	vst v48  }
0x18b: {  	v56 =	vadd.f32 v53, v1;
	v0 =	vadd.f32 v58, v4;
	[tilespmem:$0xAB10] =	vst v51  }
0x18c: {  	v62 =	vadd.f32 v60, v5;
	[tilespmem:$0xAB20] =	vst v8;
	v61 =	vadd.f32 v59, v1  }
0x18d: {  	v3 =	vadd.f32 v56, v3;
	[tilespmem:$0xAB50] =	vst v0  }
0x18e: {  	s15 =	sadd.s32 $0x1, s15;
	[tilespmem:$0xAB60] =	vst v62;
	v0 =	vadd.f32 v61, v63  }
0x18f: {  	p0 =	sne.s32 s15, s11;
	[tilespmem:$0xAB40] =	vst v3  }
.Ltmp4:
0x190: {  	[tilespmem:$0xAB70] =	vst v0;
	(pc) =	sbr.rel @p0 .LBB2_1-.Ltmp4, $4  }
0x191: {  	[hbm4b:s10+s6] =	stream.linear.scatter [tilespmem:s5], [sflag:$0x3], $0x200, $0x38;
	[tilespmem:$0xAB80] =	vst v63  }
0x192: {  	_ =	swait.ge [sflag:s12], $0x200  }
0x193: {  	[sflag:s12] =	ssyncset.done $0x0  }
0x194: {  	[sflag:s12] =	ssyncadd.s32 $0xFFFFFE00  }
0x195: {  	_ =	sfence.sel $0x180000  }
0x196: {  	[bflag:$0x0] =	sbarrier.arrive $0xFFFF  }
0x197: {  	_ =	strace $0x90000047  }
0x198: {  	s0 =	stileid.u32;
	[bflag:$0x2] =	sbarrier.arrive $0xFFFF  }
0x199: {  	p0 =	sne.s32 s0, $0x0;
	s0 =	rddreg [dreg:$0x7]  }
0x19a: {  	s0 =	sadd.s32 @!p0 $0x100000, s0  }
0x19b: {  	[sflag:s0] =	ssyncadd.tile.s32 @!p0 $0x1;
	_ =	shalt  }
.Lfunc_end2:
_tile_overlayer_lowered:
.L_overlay_start_2:
0x19c: {  	(tag) =	ssettag $0x2  }
0x19d: {  	s0 =	rddreg [dreg:$0x0];
	s2 =	stileid.u32  }
0x19e: {  	s1 =	rddreg [dreg:$0x1];
	p0 =	sne.s32 s2, $0x0  }
0x19f: {  	s3 =	rddreg [dreg:$0x2];
	[bflag:$0x3] =	sbarrier.arrive $0xFFFF;
	s2 =	simm.s32 @!p0 $0x1C03  }
0x1a0: {  	[timem:s3], [sflag:s2] =	dma.local @!p0 [hbm:s0], s1  }
0x1a1: {  	s0 =	simm.s32 @!p0 $0x3  }
0x1a2: {  	_ =	swait.ge @!p0 [sflag:s0], s1  }
0x1a3: {  	s1 =	ssub.s32 @!p0 $0x0, s1;
	[sflag:s0] =	ssyncset.done @!p0 $0x0  }
0x1a4: {  	[sflag:s0] =	ssyncadd.s32 @!p0 s1  }
0x1a5: {  	[bflag:$0x3] =	sbarrier.arrive $0xFFFF  }
0x1a6: {  	_ =	shalt  }

</sc_bundles>
